<compile_context>
chip_gen: v7x
topology: tpu7x:2x2x1
jax: 0.10.2.dev20260603
libtpu: 0.0.44.dev20260713+nightly
codegen_flags: <defaults>
</compile_context>

<pallas_src>
import functools

import jax
import jax.numpy as jnp
from jax import lax
from jax.experimental import pallas as pl
from jax.experimental.pallas import tpu as pltpu
from jax.experimental.pallas import tpu_sc as plsc

N = 32768
FEATURE_DIM = 128
TOKEN_DIM = 768
MAX_TOKENS = 128
KNN = 16
PTS_PAD = 128


def _fps_knn_body(pts_ref, ptsT_ref, ptsR_ref, cent_ref, knn_ref, d2_ref):
    iota_l = lax.broadcasted_iota(jnp.int32, (1, N), 1)
    NR = N // 128
    flat = (lax.broadcasted_iota(jnp.int32, (NR, 128), 0) * 128
            + lax.broadcasted_iota(jnp.int32, (NR, 128), 1))

    cent_ref[0:1, :] = pts_ref[0:1, :]

    def body(i, carry):
        dists, idx = carry
        row = pts_ref[pl.ds(idx, 1), :]
        d = ((ptsR_ref[0] - row[0, 0]) ** 2
             + (ptsR_ref[1] - row[0, 1]) ** 2
             + (ptsR_ref[2] - row[0, 2]) ** 2
             + (ptsR_ref[3] - row[0, 3]) ** 2)
        dists = jnp.minimum(dists, d)
        mx = jnp.max(dists)
        nidx = jnp.min(jnp.where(dists == mx, flat, jnp.int32(N)))
        cent_ref[pl.ds(i, 1), :] = pts_ref[pl.ds(nidx, 1), :]
        return dists, nidx

    lax.fori_loop(1, MAX_TOKENS, body,
                  (jnp.full((NR, 128), jnp.inf, jnp.float32), jnp.int32(0)))

    C = cent_ref[...]
    cc = jnp.sum(C * C, axis=1, keepdims=True)
    pp = jnp.sum(ptsT_ref[...] ** 2, axis=0, keepdims=True)
    cp = lax.dot_general(C, ptsT_ref[...], (((1,), (0,)), ((), ())),
                         preferred_element_type=jnp.float32)
    d2_ref[...] = cc + pp - 2.0 * cp

    iota_k = lax.broadcasted_iota(jnp.int32, (MAX_TOKENS, KNN), 1)

    def topk_body(k, knn_val):
        d2 = d2_ref[...]
        m = jnp.min(d2, axis=1, keepdims=True)
        idxk = jnp.min(jnp.where(d2 == m, iota_l, jnp.int32(N)),
                       axis=1, keepdims=True)
        d2_ref[...] = jnp.where(iota_l == idxk, jnp.float32(jnp.inf), d2)
        return jnp.where(iota_k == k, idxk, knn_val)

    knn_ref[...] = lax.fori_loop(
        0, KNN, topk_body, jnp.zeros((MAX_TOKENS, KNN), jnp.int32))


def _fps_knn(pts, ptsT, ptsR):
    return pl.pallas_call(
        _fps_knn_body,
        out_shape=(
            jax.ShapeDtypeStruct((MAX_TOKENS, 4), jnp.float32),
            jax.ShapeDtypeStruct((MAX_TOKENS, KNN), jnp.int32),
        ),
        scratch_shapes=[pltpu.VMEM((MAX_TOKENS, N), jnp.float32)],
    )(pts, ptsT, ptsR)


@functools.cache
def _make_sc_gather():
    info = plsc.get_sparse_core_info()
    nw = info.num_cores * info.num_subcores
    b_per_w = SC_ROWS // nw
    mesh = plsc.VectorSubcoreMesh(core_axis_name="c", subcore_axis_name="s")

    @functools.partial(
        pl.kernel, mesh=mesh,
        out_type=jax.ShapeDtypeStruct((SC_ROWS, FEATURE_DIM), jnp.float32),
        scratch_types=[
            pltpu.VMEM((b_per_w,), jnp.int32),
            pltpu.VMEM((b_per_w, FEATURE_DIM), jnp.float32),
            pltpu.SemaphoreType.DMA,
        ],
    )
    def sc_gather(feat_hbm, idx_hbm, outf_hbm, idx_v, rows_f, sem_f):
        wid = lax.axis_index("s") * info.num_cores + lax.axis_index("c")
        base = wid * b_per_w
        pltpu.sync_copy(idx_hbm.at[pl.ds(base, b_per_w)], idx_v)
        cf = pltpu.async_copy(feat_hbm.at[idx_v], rows_f, sem_f)
        cf.wait()
        pltpu.sync_copy(rows_f, outf_hbm.at[pl.ds(base, b_per_w)])

    return sc_gather


CHUNK = 256
SC_ROWS = 512
N_CHUNKS = (MAX_TOKENS * KNN) // CHUNK
TC_CHUNKS = N_CHUNKS - SC_ROWS // CHUNK


def _mlp_body(idx_ref, feat_ref, scrows_ref, W0_ref, b0_ref, W1_ref, b1_ref,
              W2_ref, b2_ref, W3_ref, b3_ref, out_ref, buf, sems):
    i = pl.program_id(0)

    def fetch(c, s):
        @pl.when(c >= TC_CHUNKS)
        def _():
            pltpu.make_async_copy(
                scrows_ref.at[pl.ds((c - TC_CHUNKS) * CHUNK, CHUNK)],
                buf.at[s], sems.at[s]).start()

        @pl.when(c < TC_CHUNKS)
        def _():
            def row(j, _):
                r = idx_ref[c * CHUNK + j]
                pltpu.make_async_copy(
                    feat_ref.at[pl.ds(r, 1)], buf.at[s, pl.ds(j, 1)],
                    sems.at[s]).start()
                return 0
            lax.fori_loop(0, CHUNK, row, 0)

    def wait(c, s):
        @pl.when(c >= TC_CHUNKS)
        def _():
            pltpu.make_async_copy(
                scrows_ref.at[pl.ds((c - TC_CHUNKS) * CHUNK, CHUNK)],
                buf.at[s], sems.at[s]).wait()

        @pl.when(c < TC_CHUNKS)
        def _():
            def row(j, _):
                r = idx_ref[c * CHUNK + j]
                pltpu.make_async_copy(
                    feat_ref.at[pl.ds(r, 1)], buf.at[s, pl.ds(j, 1)],
                    sems.at[s]).wait()
                return 0
            lax.fori_loop(0, CHUNK, row, 0)

    @pl.when(i == 0)
    def _():
        fetch(0, 0)

    @pl.when(i + 1 < N_CHUNKS)
    def _():
        fetch(i + 1, (i + 1) % 2)

    wait(i, i % 2)
    x = buf[i % 2]
    h = jnp.maximum(jnp.dot(x, W0_ref[...],
                            preferred_element_type=jnp.float32) + b0_ref[...], 0.0)
    h = jnp.maximum(jnp.dot(h, W1_ref[...],
                            preferred_element_type=jnp.float32) + b1_ref[...], 0.0)
    h = jnp.maximum(jnp.dot(h, W2_ref[...],
                            preferred_element_type=jnp.float32) + b2_ref[...], 0.0)
    out_ref[...] = jnp.dot(h, W3_ref[...],
                           preferred_element_type=jnp.float32) + b3_ref[...]


def _mlp(idx, feat, scrows, W0, b0, W1, b1, W2, b2, W3, b3):
    B = MAX_TOKENS * KNN
    full = lambda shape: pl.BlockSpec(shape, lambda i, ref: (0, 0))
    return pl.pallas_call(
        _mlp_body,
        grid_spec=pltpu.PrefetchScalarGridSpec(
            num_scalar_prefetch=1,
            grid=(N_CHUNKS,),
            in_specs=[
                pl.BlockSpec(memory_space=pl.ANY),
                pl.BlockSpec(memory_space=pl.ANY),
                full(W0.shape), full((1, 256)),
                full(W1.shape), full((1, 512)),
                full(W2.shape), full((1, 768)),
                full(W3.shape), full((1, TOKEN_DIM)),
            ],
            out_specs=pl.BlockSpec((CHUNK, TOKEN_DIM), lambda i, ref: (i, 0)),
            scratch_shapes=[
                pltpu.VMEM((2, CHUNK, FEATURE_DIM), jnp.float32),
                pltpu.SemaphoreType.DMA((2,)),
            ],
        ),
        out_shape=jax.ShapeDtypeStruct((B, TOKEN_DIM), jnp.float32),
    )(idx, feat, scrows, W0, b0, W1, b1, W2, b2, W3, b3)


def _attn_body(nf_ref, idx_ref, ptsR_ref, cent_ref, q_ref, kW_ref, kb_ref,
               vW_ref, vb_ref, pW_ref, pb_ref, nW1_ref, nb1_ref, nW2_ref,
               nb2_ref, out_ref):
    nf = nf_ref[...]
    q = q_ref[...]
    scale = jnp.float32(TOKEN_DIM) ** -0.5
    B = MAX_TOKENS * KNN

    qk = lax.dot_general(q, kW_ref[...], (((1,), (1,)), ((), ())),
                         preferred_element_type=jnp.float32)
    qp4 = lax.dot_general(q, pW_ref[...], (((1,), (1,)), ((), ())),
                          preferred_element_type=jnp.float32)
    c = jnp.sum(q * (kb_ref[...] + pb_ref[...]))
    sn = lax.dot_general(qk, nf, (((1,), (1,)), ((), ())),
                         preferred_element_type=jnp.float32)

    g2d = (qp4[0, 0] * ptsR_ref[0] + qp4[0, 1] * ptsR_ref[1]
           + qp4[0, 2] * ptsR_ref[2] + qp4[0, 3] * ptsR_ref[3])
    idx = idx_ref[...]
    rowblk = lax.div(idx, jnp.int32(128))
    lane = idx - rowblk * 128
    oh_r = (lax.broadcasted_iota(jnp.int32, (B, 256), 1)
            == rowblk).astype(jnp.float32)
    a = jnp.dot(oh_r, g2d, preferred_element_type=jnp.float32)
    oh_l = (lax.broadcasted_iota(jnp.int32, (B, 128), 1)
            == lane).astype(jnp.float32)
    pn = lax.dot_general(jnp.ones((1, 128), jnp.float32), a * oh_l,
                         (((1,), (1,)), ((), ())),
                         preferred_element_type=jnp.float32)
    cs = lax.dot_general(qp4, cent_ref[...], (((1,), (1,)), ((), ())),
                         preferred_element_type=jnp.float32)

    rows = [(sn[:, k * MAX_TOKENS:(k + 1) * MAX_TOKENS]
             + pn[:, k * MAX_TOKENS:(k + 1) * MAX_TOKENS] - cs + c) * scale
            for k in range(KNN)]
    s = jnp.concatenate(rows, axis=0)
    s = s - jnp.max(s, axis=0, keepdims=True)
    e = jnp.exp(s)
    w = e / jnp.sum(e, axis=0, keepdims=True)

    values = jnp.dot(nf, vW_ref[...],
                     preferred_element_type=jnp.float32) + vb_ref[...]

    rr = lax.broadcasted_iota(jnp.int32, (MAX_TOKENS, MAX_TOKENS), 0)
    cc2 = lax.broadcasted_iota(jnp.int32, (MAX_TOKENS, MAX_TOKENS), 1)
    eye = rr == cc2
    blocks = [jnp.where(eye, jnp.broadcast_to(w[k:k + 1, :],
                                              (MAX_TOKENS, MAX_TOKENS)), 0.0)
              for k in range(KNN)]
    P = jnp.concatenate(blocks, axis=1)
    pooled = jnp.dot(P, values, preferred_element_type=jnp.float32)

    t1 = jnp.maximum(jnp.dot(pooled, nW1_ref[...],
                             preferred_element_type=jnp.float32) + nb1_ref[...], 0.0)
    out_ref[...] = jnp.dot(t1, nW2_ref[...],
                           preferred_element_type=jnp.float32) + nb2_ref[...]


def _attn(nf, idx2d, ptsR, cent, q, kW, kb, vW, vb, pW, pb, nW1, nb1, nW2,
          nb2):
    return pl.pallas_call(
        _attn_body,
        out_shape=jax.ShapeDtypeStruct((MAX_TOKENS, TOKEN_DIM), jnp.float32),
    )(nf, idx2d, ptsR, cent, q, kW, kb, vW, vb, pW, pb, nW1, nb1, nW2, nb2)


def kernel(coordinates, features, W0, b0, W1, b1, W2, b2, W3, b3, q,
           kW, kb, vW, vb, pW, pb, nW1, nb1, nW2, nb2):
    pts = coordinates[:, 1:5]
    ptsT = pts.T
    ptsR = ptsT.reshape(4, N // 128, 128)
    cent, knn = _fps_knn(pts, ptsT, ptsR)
    idx_flat = knn.T.reshape(-1)

    sc_rows = _make_sc_gather()(features, idx_flat[MAX_TOKENS * KNN - SC_ROWS:])

    nf = _mlp(idx_flat, features, sc_rows, W0, b0.reshape(1, -1),
              W1, b1.reshape(1, -1), W2, b2.reshape(1, -1),
              W3, b3.reshape(1, -1))

    tokens_u = _attn(nf, idx_flat.reshape(-1, 1), ptsR, cent, q, kW,
                     kb.reshape(1, -1), vW, vb.reshape(1, -1), pW,
                     pb.reshape(1, -1), nW1, nb1.reshape(1, -1),
                     nW2, nb2.reshape(1, -1))

    order = jnp.argsort(cent[:, 3])
    tokens = tokens_u[order]
    centroids = cent[order]
    mask = jnp.ones((MAX_TOKENS,), dtype=bool)
    return tokens[None], centroids[None], mask[None]

# --- scband reference (transcript-rebuilt; emitter-appended) ---
"""Pipeline reference for scband-point-cloud-tokenizer-33809982554591 (READ-ONLY COPY).

The authoritative reference and input builder live on the scoring server;
editing this copy changes nothing except your own understanding.
"""

import jax, jax.numpy as jnp
import numpy as np

N = 32768
FEATURE_DIM = 128
TOKEN_DIM = 768
MAX_TOKENS = 128
KNN = 16


def _fps(points, n_samples):
    n = points.shape[0]
    dists = jnp.full((n,), jnp.inf, dtype=points.dtype)
    idxs = jnp.zeros((n_samples,), dtype=jnp.int32)

    def body(i, state):
        dists, idxs = state
        last = points[idxs[i - 1]]
        d = jnp.sum((points - last) ** 2, axis=1)
        dists = jnp.minimum(dists, d)
        idxs = idxs.at[i].set(jnp.argmax(dists).astype(jnp.int32))
        return (dists, idxs)

    dists, idxs = jax.lax.fori_loop(1, n_samples, body, (dists, idxs))
    return idxs


def setup_inputs(seed: int = 0):
    key = jax.random.key(seed)
    ks = [jax.random.fold_in(key, i) for i in range(16)]
    coordinates = jax.random.uniform(ks[0], (N, 5), dtype=jnp.float32)
    features = jax.random.normal(ks[1], (N, FEATURE_DIM), dtype=jnp.float32)

    def lin(k, i, o):
        k1, k2 = jax.random.split(k)
        s = 1.0 / np.sqrt(i)
        W = jax.random.uniform(k1, (i, o), minval=-s, maxval=s, dtype=jnp.float32)
        b = jax.random.uniform(k2, (o,), minval=-s, maxval=s, dtype=jnp.float32)
        return W, b

    W0, b0 = lin(ks[2], FEATURE_DIM, 256)
    W1, b1 = lin(ks[3], 256, 512)
    W2, b2 = lin(ks[4], 512, 768)
    W3, b3 = lin(ks[5], 768, TOKEN_DIM)
    q = jax.random.normal(ks[6], (1, TOKEN_DIM), dtype=jnp.float32) * 0.02
    kW, kb = lin(ks[7], TOKEN_DIM, TOKEN_DIM)
    vW, vb = lin(ks[8], TOKEN_DIM, TOKEN_DIM)
    pW, pb = lin(ks[9], 4, TOKEN_DIM)
    nW1, nb1 = lin(ks[10], TOKEN_DIM, TOKEN_DIM)
    nW2, nb2 = lin(ks[11], TOKEN_DIM, TOKEN_DIM)
    return {"coordinates": coordinates, "features": features,
            "W0": W0, "b0": b0, "W1": W1, "b1": b1, "W2": W2, "b2": b2, "W3": W3, "b3": b3,
            "q": q, "kW": kW, "kb": kb, "vW": vW, "vb": vb, "pW": pW, "pb": pb,
            "nW1": nW1, "nb1": nb1, "nW2": nW2, "nb2": nb2}


def reference(coordinates, features, W0, b0, W1, b1, W2, b2, W3, b3, q, kW, kb, vW, vb, pW, pb, nW1, nb1, nW2, nb2):
    # single batch: batch-id column floors to 0 for all points
    xyz = coordinates[:, 1:4]
    t = coordinates[:, 4:5]
    pts = jnp.concatenate([xyz, t], axis=-1)  # [N, 4]
    # per-point MLP
    h = jax.nn.relu(features @ W0 + b0)
    h = jax.nn.relu(h @ W1 + b1)
    h = jax.nn.relu(h @ W2 + b2)
    feats = h @ W3 + b3  # [N, TOKEN_DIM]
    # farthest point sampling (indices are non-differentiable)
    fps_idx = _fps(jax.lax.stop_gradient(pts), MAX_TOKENS)
    centroids = pts[fps_idx]  # [MAX_TOKENS, 4]
    # cdist + kNN
    d2 = jnp.sum(centroids ** 2, axis=1)[:, None] + jnp.sum(pts ** 2, axis=1)[None, :] - 2.0 * centroids @ pts.T
    dist = jnp.sqrt(jnp.maximum(d2, 0.0))
    _, knn_idx = jax.lax.top_k(-dist, KNN)  # smallest distances
    nf = feats[knn_idx.reshape(-1)].reshape(MAX_TOKENS, KNN, TOKEN_DIM)
    # attention pooling with relative positions
    npos = pts[knn_idx]  # [MAX_TOKENS, KNN, 4]
    rel = npos - centroids[:, None, :]
    keys = (nf @ kW + kb) + (rel @ pW + pb)
    values = nf @ vW + vb
    query = jnp.broadcast_to(q[None, :, :], (MAX_TOKENS, 1, TOKEN_DIM))
    scores = jnp.einsum('nid,nkd->nik', query, keys) * (TOKEN_DIM ** -0.5)
    w = jax.nn.softmax(scores, axis=-1)
    pooled = jnp.einsum('nik,nkd->nid', w, values)[:, 0, :]
    # neighborhood MLP
    tokens = jax.nn.relu(pooled @ nW1 + nb1) @ nW2 + nb2
    # sort by time coordinate
    order = jnp.argsort(centroids[:, 3])
    centroids = centroids[order]
    tokens = tokens[order]
    mask = jnp.ones((MAX_TOKENS,), dtype=bool)
    return tokens[None], centroids[None], mask[None]

if __name__ == "__main__":
    import jax
    _d = setup_inputs()
    print(jax.jit(kernel)(*tuple(_d.values())))

</pallas_src>

<mosaic_0001>
#map = affine_map<(d0, d1) -> (0, 0)>
#map1 = affine_map<(d0, d1) -> (0)>
module attributes {stable_mosaic.version = 14 : i64} {
  func.func @sc_gather(%arg0: i32, %arg1: i32, %arg2: memref<32768x128xf32, #tpu.memory_space<hbm>>, %arg3: memref<512xi32, #tpu.memory_space<hbm>>, %arg4: memref<512x128xf32, #tpu.memory_space<hbm>>, %arg5: memref<16xi32, #tpu.memory_space<vmem>>, %arg6: memref<16x128xf32, #tpu.memory_space<vmem>>, %arg7: memref<!tpu.dma_semaphore, #tpu.memory_space<semaphore_mem>>) attributes {dimension_semantics = [#tpu.dimension_semantics<core_parallel>, #tpu.dimension_semantics<subcore_parallel>], iteration_bounds = array<i64: 2, 16>, scalar_prefetch = 0 : i64, scratch_operands = 3 : i64, tpu.core_type = #tpu.core_type<sc_vector_subcore>, window_params = [{transform_indices = #map}, {transform_indices = #map1}, {transform_indices = #map}]} {
    %mul3A = arith.constant 2 : i32
    %mul3A_0 = arith.muli %arg1, %mul3A : i32
    %add3A = arith.addi %mul3A_0, %arg0 : i32
    %mul3A_1 = arith.constant 16 : i32
    %mul3A_2 = arith.muli %add3A, %mul3A_1 : i32
    "tpu.region"() ({
      %run_scoped3A = tpu.sem_alloc : memref<!tpu.dma_semaphore, #tpu.memory_space<semaphore_mem>>
      %dma_start3A_7 = tpu.memref_slice %arg3[%mul3A_2] : memref<512xi32, #tpu.memory_space<hbm>> -> memref<16xi32, #tpu.memory_space<hbm>>
      %dma_start3A_8 = tpu.memref_slice %arg3[%mul3A_2] : memref<512xi32, #tpu.memory_space<hbm>> -> memref<16xi32, #tpu.memory_space<hbm>>
      tpu.enqueue_dma source(%dma_start3A_8 : memref<16xi32, #tpu.memory_space<hbm>>) target(%arg5 : memref<16xi32, #tpu.memory_space<vmem>>) target_semaphore(%run_scoped3A : memref<!tpu.dma_semaphore, #tpu.memory_space<semaphore_mem>>)
      %dma_wait3A_9 = tpu.memref_slice %arg3[%mul3A_2] : memref<512xi32, #tpu.memory_space<hbm>> -> memref<16xi32, #tpu.memory_space<hbm>>
      %dma_wait3A_10 = tpu.memref_slice %arg3[%mul3A_2] : memref<512xi32, #tpu.memory_space<hbm>> -> memref<16xi32, #tpu.memory_space<hbm>>
      tpu.wait_dma2 semaphore(%run_scoped3A : memref<!tpu.dma_semaphore, #tpu.memory_space<semaphore_mem>>) src(%dma_wait3A_10 : memref<16xi32, #tpu.memory_space<hbm>>) dst(%arg5 : memref<16xi32, #tpu.memory_space<vmem>>)
      tpu.yield
    }) : () -> ()
    %dma_start3A = arith.constant 0 : i32
    %dma_start3A_3 = arith.constant 0 : i32
    %dma_start3A_4 = tpu.memref_slice %arg2[%dma_start3A, %dma_start3A_3] : memref<32768x128xf32, #tpu.memory_space<hbm>> -> memref<32768x128xf32, #tpu.memory_space<hbm>>
    tpu.enqueue_indirect_dma source(%dma_start3A_4 : memref<32768x128xf32, #tpu.memory_space<hbm>>) target(%arg6 : memref<16x128xf32, #tpu.memory_space<vmem>>) offsets(%arg5 : memref<16xi32, #tpu.memory_space<vmem>>) semaphore(%arg7 : memref<!tpu.dma_semaphore, #tpu.memory_space<semaphore_mem>>)
    %dma_wait3A = arith.constant 0 : i32
    %dma_wait3A_5 = arith.constant 0 : i32
    %dma_wait3A_6 = tpu.memref_slice %arg2[%dma_wait3A, %dma_wait3A_5] : memref<32768x128xf32, #tpu.memory_space<hbm>> -> memref<32768x128xf32, #tpu.memory_space<hbm>>
    tpu.wait_indirect_dma semaphore(%arg7 : memref<!tpu.dma_semaphore, #tpu.memory_space<semaphore_mem>>) src(%dma_wait3A_6 : memref<32768x128xf32, #tpu.memory_space<hbm>>) dst(%arg6 : memref<16x128xf32, #tpu.memory_space<vmem>>)
    "tpu.region"() ({
      %run_scoped3A = tpu.sem_alloc : memref<!tpu.dma_semaphore, #tpu.memory_space<semaphore_mem>>
      %dma_start3A_7 = arith.constant 0 : i32
      %dma_start3A_8 = tpu.memref_slice %arg4[%mul3A_2, %dma_start3A_7] : memref<512x128xf32, #tpu.memory_space<hbm>> -> memref<16x128xf32, #tpu.memory_space<hbm>>
      %dma_start3A_9 = arith.constant 0 : i32
      %dma_start3A_10 = tpu.memref_slice %arg4[%mul3A_2, %dma_start3A_9] : memref<512x128xf32, #tpu.memory_space<hbm>> -> memref<16x128xf32, #tpu.memory_space<hbm>>
      tpu.enqueue_dma source(%arg6 : memref<16x128xf32, #tpu.memory_space<vmem>>) target(%dma_start3A_10 : memref<16x128xf32, #tpu.memory_space<hbm>>) target_semaphore(%run_scoped3A : memref<!tpu.dma_semaphore, #tpu.memory_space<semaphore_mem>>)
      %dma_wait3A_11 = arith.constant 0 : i32
      %dma_wait3A_12 = tpu.memref_slice %arg4[%mul3A_2, %dma_wait3A_11] : memref<512x128xf32, #tpu.memory_space<hbm>> -> memref<16x128xf32, #tpu.memory_space<hbm>>
      %dma_wait3A_13 = arith.constant 0 : i32
      %dma_wait3A_14 = tpu.memref_slice %arg4[%mul3A_2, %dma_wait3A_13] : memref<512x128xf32, #tpu.memory_space<hbm>> -> memref<16x128xf32, #tpu.memory_space<hbm>>
      tpu.wait_dma2 semaphore(%run_scoped3A : memref<!tpu.dma_semaphore, #tpu.memory_space<semaphore_mem>>) src(%arg6 : memref<16x128xf32, #tpu.memory_space<vmem>>) dst(%dma_wait3A_14 : memref<16x128xf32, #tpu.memory_space<hbm>>)
      tpu.yield
    }) : () -> ()
    return
  }
}

module attributes {stable_mosaic.version = 14 : i64} {
  func.func @_fps_knn_body(%arg0: memref<32768x4xf32, #tpu.memory_space<vmem>>, %arg1: memref<4x32768xf32, #tpu.memory_space<vmem>>, %arg2: memref<4x256x128xf32, #tpu.memory_space<vmem>>, %arg3: memref<128x4xf32, #tpu.memory_space<vmem>>, %arg4: memref<128x16xi32, #tpu.memory_space<vmem>>, %arg5: memref<128x32768xf32, #tpu.memory_space<vmem>>) attributes {dimension_semantics = [], scalar_prefetch = 0 : i64, scratch_operands = 1 : i64, tpu.core_type = #tpu.core_type<tc>} {
    %iota3A = tpu.iota {dimensions = array<i32: 1>} : vector<1x32768xi32>
    %iota3A_0 = tpu.iota {dimensions = array<i32: 0>} : vector<256x128xi32>
    %mul3A = arith.constant 128 : i32
    %mul3A_1 = vector.broadcast %mul3A : i32 to vector<256x128xi32>
    %mul3A_2 = arith.muli %iota3A_0, %mul3A_1 : vector<256x128xi32>
    %iota3A_3 = tpu.iota {dimensions = array<i32: 1>} : vector<256x128xi32>
    %add3A = arith.addi %mul3A_2, %iota3A_3 : vector<256x128xi32>
    %get3A = arith.constant 0 : index
    %get3A_4 = arith.constant 0 : index
    %get3A_5 = vector.load %arg0[%get3A, %get3A_4] : memref<32768x4xf32, #tpu.memory_space<vmem>>, vector<1x4xf32>
    %swap3A = arith.constant 0 : index
    %swap3A_6 = arith.constant 0 : index
    %swap3A_7 = vector.load %arg3[%swap3A, %swap3A_6] : memref<128x4xf32, #tpu.memory_space<vmem>>, vector<1x4xf32>
    tpu.vector_store %arg3[%swap3A, %swap3A_6], %get3A_5 {strides = array<i32>} : memref<128x4xf32, #tpu.memory_space<vmem>>, vector<1x4xf32>,
    %broadcast_in_dim3A = arith.constant 0x7F800000 : f32
    %broadcast_in_dim3A_8 = vector.broadcast %broadcast_in_dim3A : f32 to vector<256x128xf32>
    %scan3A = arith.constant 0 : i32
    %scan3A_9 = arith.constant 1 : i32
    %scan3A_10 = arith.constant 127 : i32
    %scan3A_11 = arith.addi %scan3A_9, %scan3A_10 : i32
    %scan3A_12 = arith.constant 1 : i32
    %scan3A_13:2 = scf.for %scan3A_52 = %scan3A_9 to %scan3A_11 step %scan3A_12 iter_args(%scan3A_53 = %broadcast_in_dim3A_8, %scan3A_54 = %scan3A) -> (vector<256x128xf32>, i32)  : i32 {
      %get3A_55 = arith.index_cast %scan3A_54 : i32 to index
      %get3A_56 = arith.constant 0 : index
      %get3A_57 = vector.load %arg0[%get3A_55, %get3A_56] : memref<32768x4xf32, #tpu.memory_space<vmem>>, vector<1x4xf32>
      %get3A_58 = arith.constant 0 : index
      %get3A_59 = arith.constant 0 : index
      %get3A_60 = arith.constant 0 : index
      %get3A_61 = vector.load %arg2[%get3A_58, %get3A_59, %get3A_60] : memref<4x256x128xf32, #tpu.memory_space<vmem>>, vector<1x256x128xf32>
      %get3A_62 = vector.shape_cast %get3A_61 : vector<1x256x128xf32> to vector<256x128xf32>
      %slice3A = vector.extract_strided_slice %get3A_57 {offsets = [0, 0], sizes = [1, 1], strides = [1, 1]} : vector<1x4xf32> to vector<1x1xf32>
      %squeeze3A = vector.extract %slice3A[0, 0] : f32 from vector<1x1xf32>
      %sub3A_63 = vector.broadcast %squeeze3A : f32 to vector<256x128xf32>
      %sub3A_64 = arith.subf %get3A_62, %sub3A_63 : vector<256x128xf32>
      %integer_pow3A_65 = arith.mulf %sub3A_64, %sub3A_64 : vector<256x128xf32>
      %get3A_66 = arith.constant 1 : index
      %get3A_67 = arith.constant 0 : index
      %get3A_68 = arith.constant 0 : index
      %get3A_69 = vector.load %arg2[%get3A_66, %get3A_67, %get3A_68] : memref<4x256x128xf32, #tpu.memory_space<vmem>>, vector<1x256x128xf32>
      %get3A_70 = vector.shape_cast %get3A_69 : vector<1x256x128xf32> to vector<256x128xf32>
      %slice3A_71 = vector.extract_strided_slice %get3A_57 {offsets = [0, 1], sizes = [1, 1], strides = [1, 1]} : vector<1x4xf32> to vector<1x1xf32>
      %squeeze3A_72 = vector.extract %slice3A_71[0, 0] : f32 from vector<1x1xf32>
      %sub3A_73 = vector.broadcast %squeeze3A_72 : f32 to vector<256x128xf32>
      %sub3A_74 = arith.subf %get3A_70, %sub3A_73 : vector<256x128xf32>
      %integer_pow3A_75 = arith.mulf %sub3A_74, %sub3A_74 : vector<256x128xf32>
      %add3A_76 = arith.addf %integer_pow3A_65, %integer_pow3A_75 : vector<256x128xf32>
      %get3A_77 = arith.constant 2 : index
      %get3A_78 = arith.constant 0 : index
      %get3A_79 = arith.constant 0 : index
      %get3A_80 = vector.load %arg2[%get3A_77, %get3A_78, %get3A_79] : memref<4x256x128xf32, #tpu.memory_space<vmem>>, vector<1x256x128xf32>
      %get3A_81 = vector.shape_cast %get3A_80 : vector<1x256x128xf32> to vector<256x128xf32>
      %slice3A_82 = vector.extract_strided_slice %get3A_57 {offsets = [0, 2], sizes = [1, 1], strides = [1, 1]} : vector<1x4xf32> to vector<1x1xf32>
      %squeeze3A_83 = vector.extract %slice3A_82[0, 0] : f32 from vector<1x1xf32>
      %sub3A_84 = vector.broadcast %squeeze3A_83 : f32 to vector<256x128xf32>
      %sub3A_85 = arith.subf %get3A_81, %sub3A_84 : vector<256x128xf32>
      %integer_pow3A_86 = arith.mulf %sub3A_85, %sub3A_85 : vector<256x128xf32>
      %add3A_87 = arith.addf %add3A_76, %integer_pow3A_86 : vector<256x128xf32>
      %get3A_88 = arith.constant 3 : index
      %get3A_89 = arith.constant 0 : index
      %get3A_90 = arith.constant 0 : index
      %get3A_91 = vector.load %arg2[%get3A_88, %get3A_89, %get3A_90] : memref<4x256x128xf32, #tpu.memory_space<vmem>>, vector<1x256x128xf32>
      %get3A_92 = vector.shape_cast %get3A_91 : vector<1x256x128xf32> to vector<256x128xf32>
      %slice3A_93 = vector.extract_strided_slice %get3A_57 {offsets = [0, 3], sizes = [1, 1], strides = [1, 1]} : vector<1x4xf32> to vector<1x1xf32>
      %squeeze3A_94 = vector.extract %slice3A_93[0, 0] : f32 from vector<1x1xf32>
      %sub3A_95 = vector.broadcast %squeeze3A_94 : f32 to vector<256x128xf32>
      %sub3A_96 = arith.subf %get3A_92, %sub3A_95 : vector<256x128xf32>
      %integer_pow3A_97 = arith.mulf %sub3A_96, %sub3A_96 : vector<256x128xf32>
      %add3A_98 = arith.addf %add3A_87, %integer_pow3A_97 : vector<256x128xf32>
      %min3A = arith.minimumf %scan3A_53, %add3A_98 : vector<256x128xf32>
      %reduce_max3A = vector.shape_cast %min3A : vector<256x128xf32> to vector<1x256x128xf32>
      %reduce_max3A_99 = arith.constant dense<0xFF800000> : vector<1xf32>
      %reduce_max3A_100 = vector.multi_reduction <maximumf>, %reduce_max3A, %reduce_max3A_99 [1, 2] : vector<1x256x128xf32> to vector<1xf32>
      %reduce_max3A_101 = vector.shape_cast %reduce_max3A_100 : vector<1xf32> to vector<1x1x1xf32>
      %reduce_max3A_102 = vector.extract %reduce_max3A_101[0, 0, 0] : f32 from vector<1x1x1xf32>
      %eq3A = vector.broadcast %reduce_max3A_102 : f32 to vector<256x128xf32>
      %eq3A_103 = arith.cmpf oeq, %min3A, %eq3A : vector<256x128xf32>
      %jit3A = arith.constant 32768 : i32
      %broadcast_in_dim3A_104 = vector.broadcast %jit3A : i32 to vector<256x128xi32>
      %select_n3A = arith.select %eq3A_103, %add3A, %broadcast_in_dim3A_104 : vector<256x128xi1>, vector<256x128xi32>
      %reduce_min3A = vector.shape_cast %select_n3A : vector<256x128xi32> to vector<1x256x128xi32>
      %reduce_min3A_105 = arith.constant dense<2147483647> : vector<1xi32>
      %reduce_min3A_106 = vector.multi_reduction <minsi>, %reduce_min3A, %reduce_min3A_105 [1, 2] : vector<1x256x128xi32> to vector<1xi32>
      %reduce_min3A_107 = vector.shape_cast %reduce_min3A_106 : vector<1xi32> to vector<1x1x1xi32>
      %reduce_min3A_108 = vector.extract %reduce_min3A_107[0, 0, 0] : i32 from vector<1x1x1xi32>
      %get3A_109 = arith.index_cast %reduce_min3A_108 : i32 to index
      %get3A_110 = arith.constant 0 : index
      %get3A_111 = vector.load %arg0[%get3A_109, %get3A_110] : memref<32768x4xf32, #tpu.memory_space<vmem>>, vector<1x4xf32>
      %swap3A_112 = arith.index_cast %scan3A_52 : i32 to index
      %swap3A_113 = arith.constant 0 : index
      %swap3A_114 = vector.load %arg3[%swap3A_112, %swap3A_113] : memref<128x4xf32, #tpu.memory_space<vmem>>, vector<1x4xf32>
      tpu.vector_store %arg3[%swap3A_112, %swap3A_113], %get3A_111 {strides = array<i32>} : memref<128x4xf32, #tpu.memory_space<vmem>>, vector<1x4xf32>,
      scf.yield %min3A, %reduce_min3A_108 : vector<256x128xf32>, i32
    }
    %scan3A_14 = arith.constant 127 : i32
    %get3A_15 = arith.constant 0 : index
    %get3A_16 = arith.constant 0 : index
    %get3A_17 = vector.load %arg3[%get3A_15, %get3A_16] : memref<128x4xf32, #tpu.memory_space<vmem>>, vector<128x4xf32>
    %mul3A_18 = arith.mulf %get3A_17, %get3A_17 : vector<128x4xf32>
    %reduce_sum3A = arith.constant dense<0.000000e+00> : vector<128xf32>
    %reduce_sum3A_19 = vector.multi_reduction <add>, %mul3A_18, %reduce_sum3A [1] : vector<128x4xf32> to vector<128xf32>
    %broadcast_in_dim3A_20 = vector.shape_cast %reduce_sum3A_19 : vector<128xf32> to vector<128x1xf32>
    %get3A_21 = arith.constant 0 : index
    %get3A_22 = arith.constant 0 : index
    %get3A_23 = vector.load %arg1[%get3A_21, %get3A_22] : memref<4x32768xf32, #tpu.memory_space<vmem>>, vector<4x32768xf32>
    %integer_pow3A = arith.mulf %get3A_23, %get3A_23 : vector<4x32768xf32>
    %reduce_sum3A_24 = arith.constant dense<0.000000e+00> : vector<32768xf32>
    %reduce_sum3A_25 = vector.multi_reduction <add>, %integer_pow3A, %reduce_sum3A_24 [0] : vector<4x32768xf32> to vector<32768xf32>
    %broadcast_in_dim3A_26 = vector.shape_cast %reduce_sum3A_25 : vector<32768xf32> to vector<1x32768xf32>
    %get3A_27 = arith.constant 0 : index
    %get3A_28 = arith.constant 0 : index
    %get3A_29 = vector.load %arg1[%get3A_27, %get3A_28] : memref<4x32768xf32, #tpu.memory_space<vmem>>, vector<4x32768xf32>
    %dot_general3A = arith.constant dense<0.000000e+00> : vector<128x32768xf32>
    %dot_general3A_30 = tpu.matmul %get3A_17, %get3A_29, %dot_general3A {dimension_numbers = #tpu.dot_dimension_numbers<[1], [0], [0], [1], [0, 0, 1, 1], [], []>, transpose_lhs_hint = false} : vector<128x4xf32>, vector<4x32768xf32>, vector<128x32768xf32> -> vector<128x32768xf32>
    %add3A_31 = vector.broadcast %broadcast_in_dim3A_20 : vector<128x1xf32> to vector<128x32768xf32>
    %add3A_32 = vector.broadcast %broadcast_in_dim3A_26 : vector<1x32768xf32> to vector<128x32768xf32>
    %add3A_33 = arith.addf %add3A_31, %add3A_32 : vector<128x32768xf32>
    %mul3A_34 = arith.constant 2.000000e+00 : f32
    %mul3A_35 = vector.broadcast %mul3A_34 : f32 to vector<128x32768xf32>
    %mul3A_36 = arith.mulf %mul3A_35, %dot_general3A_30 : vector<128x32768xf32>
    %sub3A = arith.subf %add3A_33, %mul3A_36 : vector<128x32768xf32>
    %swap3A_37 = arith.constant 0 : index
    %swap3A_38 = arith.constant 0 : index
    %swap3A_39 = vector.load %arg5[%swap3A_37, %swap3A_38] : memref<128x32768xf32, #tpu.memory_space<vmem>>, vector<128x32768xf32>
    tpu.vector_store %arg5[%swap3A_37, %swap3A_38], %sub3A {strides = array<i32>} : memref<128x32768xf32, #tpu.memory_space<vmem>>, vector<128x32768xf32>,
    %iota3A_40 = tpu.iota {dimensions = array<i32: 1>} : vector<128x16xi32>
    %broadcast_in_dim3A_41 = arith.constant 0 : i32
    %broadcast_in_dim3A_42 = vector.broadcast %broadcast_in_dim3A_41 : i32 to vector<128x16xi32>
    %scan3A_43 = arith.constant 0 : i32
    %scan3A_44 = arith.constant 16 : i32
    %scan3A_45 = arith.addi %scan3A_43, %scan3A_44 : i32
    %scan3A_46 = arith.constant 1 : i32
    %scan3A_47 = scf.for %scan3A_52 = %scan3A_43 to %scan3A_45 step %scan3A_46 iter_args(%scan3A_53 = %broadcast_in_dim3A_42) -> (vector<128x16xi32>)  : i32 {
      %get3A_54 = arith.constant 0 : index
      %get3A_55 = arith.constant 0 : index
      %get3A_56 = vector.load %arg5[%get3A_54, %get3A_55] : memref<128x32768xf32, #tpu.memory_space<vmem>>, vector<128x32768xf32>
      %reduce_min3A = arith.constant dense<0x7F800000> : vector<128xf32>
      %reduce_min3A_57 = vector.multi_reduction <minimumf>, %get3A_56, %reduce_min3A [1] : vector<128x32768xf32> to vector<128xf32>
      %broadcast_in_dim3A_58 = vector.shape_cast %reduce_min3A_57 : vector<128xf32> to vector<128x1xf32>
      %eq3A = vector.broadcast %broadcast_in_dim3A_58 : vector<128x1xf32> to vector<128x32768xf32>
      %eq3A_59 = arith.cmpf oeq, %get3A_56, %eq3A : vector<128x32768xf32>
      %jit3A = arith.constant 32768 : i32
      %broadcast_in_dim3A_60 = vector.shape_cast %iota3A : vector<1x32768xi32> to vector<1x32768xi32>
      %broadcast_in_dim3A_61 = vector.broadcast %broadcast_in_dim3A_60 : vector<1x32768xi32> to vector<128x32768xi32>
      %broadcast_in_dim3A_62 = vector.broadcast %jit3A : i32 to vector<128x32768xi32>
      %select_n3A = arith.select %eq3A_59, %broadcast_in_dim3A_61, %broadcast_in_dim3A_62 : vector<128x32768xi1>, vector<128x32768xi32>
      %reduce_min3A_63 = arith.constant dense<2147483647> : vector<128xi32>
      %reduce_min3A_64 = vector.multi_reduction <minsi>, %select_n3A, %reduce_min3A_63 [1] : vector<128x32768xi32> to vector<128xi32>
      %broadcast_in_dim3A_65 = vector.shape_cast %reduce_min3A_64 : vector<128xi32> to vector<128x1xi32>
      %eq3A_66 = vector.broadcast %iota3A : vector<1x32768xi32> to vector<128x32768xi32>
      %eq3A_67 = vector.broadcast %broadcast_in_dim3A_65 : vector<128x1xi32> to vector<128x32768xi32>
      %eq3A_68 = arith.cmpi eq, %eq3A_66, %eq3A_67 : vector<128x32768xi32>
      %jit3A_69 = arith.constant 0x7F800000 : f32
      %broadcast_in_dim3A_70 = vector.broadcast %jit3A_69 : f32 to vector<128x32768xf32>
      %select_n3A_71 = arith.select %eq3A_68, %broadcast_in_dim3A_70, %get3A_56 : vector<128x32768xi1>, vector<128x32768xf32>
      %swap3A_72 = arith.constant 0 : index
      %swap3A_73 = arith.constant 0 : index
      %swap3A_74 = vector.load %arg5[%swap3A_72, %swap3A_73] : memref<128x32768xf32, #tpu.memory_space<vmem>>, vector<128x32768xf32>
      tpu.vector_store %arg5[%swap3A_72, %swap3A_73], %select_n3A_71 {strides = array<i32>} : memref<128x32768xf32, #tpu.memory_space<vmem>>, vector<128x32768xf32>,
      %eq3A_75 = vector.broadcast %scan3A_52 : i32 to vector<128x16xi32>
      %eq3A_76 = arith.cmpi eq, %iota3A_40, %eq3A_75 : vector<128x16xi32>
      %broadcast_in_dim3A_77 = vector.shape_cast %broadcast_in_dim3A_65 : vector<128x1xi32> to vector<128x1xi32>
      %broadcast_in_dim3A_78 = vector.broadcast %broadcast_in_dim3A_77 : vector<128x1xi32> to vector<128x16xi32>
      %select_n3A_79 = arith.select %eq3A_76, %broadcast_in_dim3A_78, %scan3A_53 : vector<128x16xi1>, vector<128x16xi32>
      scf.yield %select_n3A_79 : vector<128x16xi32>
    }
    %scan3A_48 = arith.constant 16 : i32
    %swap3A_49 = arith.constant 0 : index
    %swap3A_50 = arith.constant 0 : index
    %swap3A_51 = vector.load %arg4[%swap3A_49, %swap3A_50] : memref<128x16xi32, #tpu.memory_space<vmem>>, vector<128x16xi32>
    tpu.vector_store %arg4[%swap3A_49, %swap3A_50], %scan3A_47 {strides = array<i32>} : memref<128x16xi32, #tpu.memory_space<vmem>>, vector<128x16xi32>,
    return
  }
}

module attributes {stable_mosaic.version = 14 : i64} {
  func.func @_mlp_body(%arg0: i32, %arg1: memref<2048xi32, #tpu.memory_space<smem>>, %arg2: memref<32768x128xf32, #tpu.memory_space<any>>, %arg3: memref<512x128xf32, #tpu.memory_space<any>>, %arg4: memref<128x256xf32, #tpu.memory_space<vmem>>, %arg5: memref<1x256xf32, #tpu.memory_space<vmem>>, %arg6: memref<256x512xf32, #tpu.memory_space<vmem>>, %arg7: memref<1x512xf32, #tpu.memory_space<vmem>>, %arg8: memref<512x768xf32, #tpu.memory_space<vmem>>, %arg9: memref<1x768xf32, #tpu.memory_space<vmem>>, %arg10: memref<768x768xf32, #tpu.memory_space<vmem>>, %arg11: memref<1x768xf32, #tpu.memory_space<vmem>>, %arg12: memref<256x768xf32, #tpu.memory_space<vmem>>, %arg13: memref<2x256x128xf32, #tpu.memory_space<vmem>>, %arg14: memref<2x!tpu.dma_semaphore, #tpu.memory_space<semaphore_mem>>) attributes {dimension_semantics = [#tpu.dimension_semantics<arbitrary>], iteration_bounds = array<i64: 8>, scalar_prefetch = 1 : i64, scratch_operands = 2 : i64, tpu.core_type = #tpu.core_type<tc>, window_params = [{}, {}, {pipeline_mode = #tpu.pipeline_mode<synchronous>, transform_indices = @transform_2, window_bounds = array<i64: 128, 256>}, {pipeline_mode = #tpu.pipeline_mode<synchronous>, transform_indices = @transform_3, window_bounds = array<i64: 1, 256>}, {pipeline_mode = #tpu.pipeline_mode<synchronous>, transform_indices = @transform_4, window_bounds = array<i64: 256, 512>}, {pipeline_mode = #tpu.pipeline_mode<synchronous>, transform_indices = @transform_5, window_bounds = array<i64: 1, 512>}, {pipeline_mode = #tpu.pipeline_mode<synchronous>, transform_indices = @transform_6, window_bounds = array<i64: 512, 768>}, {pipeline_mode = #tpu.pipeline_mode<synchronous>, transform_indices = @transform_7, window_bounds = array<i64: 1, 768>}, {pipeline_mode = #tpu.pipeline_mode<synchronous>, transform_indices = @transform_8, window_bounds = array<i64: 768, 768>}, {pipeline_mode = #tpu.pipeline_mode<synchronous>, transform_indices = @transform_9, window_bounds = array<i64: 1, 768>}, {transform_indices = @transform_10, window_bounds = array<i64: 256, 768>}]} {
    %eq3A = arith.constant 0 : i32
    %eq3A_0 = arith.cmpi eq, %arg0, %eq3A : i32
    %convert_element_type3A = arith.extui %eq3A_0 : i1 to i32
    %cond3A = arith.constant 0 : i32
    %cond3A_1 = arith.cmpi ne, %convert_element_type3A, %cond3A : i32
    scf.if %cond3A_1 {
      %scan3A = arith.constant 0 : i32
      %scan3A_96 = arith.constant 256 : i32
      %scan3A_97 = arith.addi %scan3A, %scan3A_96 : i32
      %scan3A_98 = arith.constant 1 : i32
      scf.for %scan3A_100 = %scan3A to %scan3A_97 step %scan3A_98  : i32 {
        %add3A_101 = arith.constant 0 : i32
        %add3A_102 = arith.addi %add3A_101, %scan3A_100 : i32
        %get3A_103 = arith.index_cast %add3A_102 : i32 to index
        %get3A_104 = memref.load %arg1[%get3A_103] : memref<2048xi32, #tpu.memory_space<smem>>
        %dma_start3A = arith.constant 0 : i32
        %dma_start3A_105 = arith.constant 0 : i32
        %dma_start3A_106 = tpu.memref_slice %arg14[%dma_start3A_105] : memref<2x!tpu.dma_semaphore, #tpu.memory_space<semaphore_mem>> -> memref<1x!tpu.dma_semaphore, #tpu.memory_space<semaphore_mem>>
        %dma_start3A_107 = tpu.memref_squeeze %dma_start3A_106 : memref<1x!tpu.dma_semaphore, #tpu.memory_space<semaphore_mem>> -> memref<!tpu.dma_semaphore, #tpu.memory_space<semaphore_mem>>
        %dma_start3A_108 = arith.constant 0 : i32
        %dma_start3A_109 = tpu.memref_slice %arg13[%dma_start3A, %scan3A_100, %dma_start3A_108] : memref<2x256x128xf32, #tpu.memory_space<vmem>> -> memref<1x1x128xf32, #tpu.memory_space<vmem>>
        %dma_start3A_110 = tpu.memref_squeeze %dma_start3A_109 : memref<1x1x128xf32, #tpu.memory_space<vmem>> -> memref<1x128xf32, #tpu.memory_space<vmem>>
        %dma_start3A_111 = arith.constant 0 : i32
        %dma_start3A_112 = tpu.memref_slice %arg2[%get3A_104, %dma_start3A_111] : memref<32768x128xf32, #tpu.memory_space<any>> -> memref<1x128xf32, #tpu.memory_space<any>>
        tpu.enqueue_dma source(%dma_start3A_112 : memref<1x128xf32, #tpu.memory_space<any>>) target(%dma_start3A_110 : memref<1x128xf32, #tpu.memory_space<vmem>>) target_semaphore(%dma_start3A_107 : memref<!tpu.dma_semaphore, #tpu.memory_space<semaphore_mem>>)
      }
      %scan3A_99 = arith.constant 256 : i32
    } else {
    }
    %add3A = arith.constant 1 : i32
    %add3A_2 = arith.addi %arg0, %add3A : i32
    %lt3A = arith.constant 8 : i32
    %lt3A_3 = arith.cmpi slt, %add3A_2, %lt3A : i32
    %convert_element_type3A_4 = arith.extui %lt3A_3 : i1 to i32
    %cond3A_5 = arith.constant 0 : i32
    %cond3A_6 = arith.cmpi ne, %convert_element_type3A_4, %cond3A_5 : i32
    scf.if %cond3A_6 {
      %add3A_96 = arith.constant 1 : i32
      %add3A_97 = arith.addi %arg0, %add3A_96 : i32
      %add3A_98 = arith.constant 1 : i32
      %add3A_99 = arith.addi %arg0, %add3A_98 : i32
      %jit3A_100 = arith.constant 2 : i32
      %eq3A_101 = arith.constant 0 : i32
      %eq3A_102 = arith.cmpi eq, %jit3A_100, %eq3A_101 : i32
      %jit3A_103 = arith.constant 1 : i32
      %select_n3A_104 = arith.select %eq3A_102, %jit3A_103, %jit3A_100 : i32
      %rem3A_105 = arith.remsi %add3A_99, %select_n3A_104 : i32
      %ne3A_106 = arith.constant 0 : i32
      %ne3A_107 = arith.cmpi ne, %rem3A_105, %ne3A_106 : i32
      %lt3A_108 = arith.constant 0 : i32
      %lt3A_109 = arith.cmpi slt, %rem3A_105, %lt3A_108 : i32
      %lt3A_110 = arith.constant 0 : i32
      %lt3A_111 = arith.cmpi slt, %select_n3A_104, %lt3A_110 : i32
      %ne3A_112 = arith.xori %lt3A_109, %lt3A_111 : i1
      %and3A_113 = arith.andi %ne3A_112, %ne3A_107 : i1
      %add3A_114 = arith.addi %rem3A_105, %select_n3A_104 : i32
      %select_n3A_115 = arith.select %and3A_113, %add3A_114, %rem3A_105 : i32
      %ge3A_116 = arith.constant 6 : i32
      %ge3A_117 = arith.cmpi sge, %add3A_97, %ge3A_116 : i32
      %convert_element_type3A_118 = arith.extui %ge3A_117 : i1 to i32
      %cond3A_119 = arith.constant 0 : i32
      %cond3A_120 = arith.cmpi ne, %convert_element_type3A_118, %cond3A_119 : i32
      scf.if %cond3A_120 {
        %sub3A = arith.constant 6 : i32
        %sub3A_126 = arith.subi %add3A_97, %sub3A : i32
        %mul3A = arith.constant 256 : i32
        %mul3A_127 = arith.muli %sub3A_126, %mul3A : i32
        %dma_start3A = tpu.memref_slice %arg14[%select_n3A_115] : memref<2x!tpu.dma_semaphore, #tpu.memory_space<semaphore_mem>> -> memref<1x!tpu.dma_semaphore, #tpu.memory_space<semaphore_mem>>
        %dma_start3A_128 = tpu.memref_squeeze %dma_start3A : memref<1x!tpu.dma_semaphore, #tpu.memory_space<semaphore_mem>> -> memref<!tpu.dma_semaphore, #tpu.memory_space<semaphore_mem>>
        %dma_start3A_129 = arith.constant 0 : i32
        %dma_start3A_130 = arith.constant 0 : i32
        %dma_start3A_131 = tpu.memref_slice %arg13[%select_n3A_115, %dma_start3A_129, %dma_start3A_130] : memref<2x256x128xf32, #tpu.memory_space<vmem>> -> memref<1x256x128xf32, #tpu.memory_space<vmem>>
        %dma_start3A_132 = tpu.memref_squeeze %dma_start3A_131 : memref<1x256x128xf32, #tpu.memory_space<vmem>> -> memref<256x128xf32, #tpu.memory_space<vmem>>
        %dma_start3A_133 = arith.constant 0 : i32
        %dma_start3A_134 = tpu.memref_slice %arg3[%mul3A_127, %dma_start3A_133] : memref<512x128xf32, #tpu.memory_space<any>> -> memref<256x128xf32, #tpu.memory_space<any>>
        tpu.enqueue_dma source(%dma_start3A_134 : memref<256x128xf32, #tpu.memory_space<any>>) target(%dma_start3A_132 : memref<256x128xf32, #tpu.memory_space<vmem>>) target_semaphore(%dma_start3A_128 : memref<!tpu.dma_semaphore, #tpu.memory_space<semaphore_mem>>)
      } else {
      }
      %lt3A_121 = arith.constant 6 : i32
      %lt3A_122 = arith.cmpi slt, %add3A_97, %lt3A_121 : i32
      %convert_element_type3A_123 = arith.extui %lt3A_122 : i1 to i32
      %cond3A_124 = arith.constant 0 : i32
      %cond3A_125 = arith.cmpi ne, %convert_element_type3A_123, %cond3A_124 : i32
      scf.if %cond3A_125 {
        %scan3A = arith.constant 0 : i32
        %scan3A_126 = arith.constant 256 : i32
        %scan3A_127 = arith.addi %scan3A, %scan3A_126 : i32
        %scan3A_128 = arith.constant 1 : i32
        scf.for %scan3A_130 = %scan3A to %scan3A_127 step %scan3A_128  : i32 {
          %mul3A = arith.constant 256 : i32
          %mul3A_131 = arith.muli %add3A_97, %mul3A : i32
          %add3A_132 = arith.addi %mul3A_131, %scan3A_130 : i32
          %get3A_133 = arith.index_cast %add3A_132 : i32 to index
          %get3A_134 = memref.load %arg1[%get3A_133] : memref<2048xi32, #tpu.memory_space<smem>>
          %dma_start3A = tpu.memref_slice %arg14[%select_n3A_115] : memref<2x!tpu.dma_semaphore, #tpu.memory_space<semaphore_mem>> -> memref<1x!tpu.dma_semaphore, #tpu.memory_space<semaphore_mem>>
          %dma_start3A_135 = tpu.memref_squeeze %dma_start3A : memref<1x!tpu.dma_semaphore, #tpu.memory_space<semaphore_mem>> -> memref<!tpu.dma_semaphore, #tpu.memory_space<semaphore_mem>>
          %dma_start3A_136 = arith.constant 0 : i32
          %dma_start3A_137 = tpu.memref_slice %arg13[%select_n3A_115, %scan3A_130, %dma_start3A_136] : memref<2x256x128xf32, #tpu.memory_space<vmem>> -> memref<1x1x128xf32, #tpu.memory_space<vmem>>
          %dma_start3A_138 = tpu.memref_squeeze %dma_start3A_137 : memref<1x1x128xf32, #tpu.memory_space<vmem>> -> memref<1x128xf32, #tpu.memory_space<vmem>>
          %dma_start3A_139 = arith.constant 0 : i32
          %dma_start3A_140 = tpu.memref_slice %arg2[%get3A_134, %dma_start3A_139] : memref<32768x128xf32, #tpu.memory_space<any>> -> memref<1x128xf32, #tpu.memory_space<any>>
          tpu.enqueue_dma source(%dma_start3A_140 : memref<1x128xf32, #tpu.memory_space<any>>) target(%dma_start3A_138 : memref<1x128xf32, #tpu.memory_space<vmem>>) target_semaphore(%dma_start3A_135 : memref<!tpu.dma_semaphore, #tpu.memory_space<semaphore_mem>>)
        }
        %scan3A_129 = arith.constant 256 : i32
      } else {
      }
    } else {
    }
    %jit3A = arith.constant 2 : i32
    %eq3A_7 = arith.constant 0 : i32
    %eq3A_8 = arith.cmpi eq, %jit3A, %eq3A_7 : i32
    %jit3A_9 = arith.constant 1 : i32
    %select_n3A = arith.select %eq3A_8, %jit3A_9, %jit3A : i32
    %rem3A = arith.remsi %arg0, %select_n3A : i32
    %ne3A = arith.constant 0 : i32
    %ne3A_10 = arith.cmpi ne, %rem3A, %ne3A : i32
    %lt3A_11 = arith.constant 0 : i32
    %lt3A_12 = arith.cmpi slt, %rem3A, %lt3A_11 : i32
    %lt3A_13 = arith.constant 0 : i32
    %lt3A_14 = arith.cmpi slt, %select_n3A, %lt3A_13 : i32
    %ne3A_15 = arith.xori %lt3A_12, %lt3A_14 : i1
    %and3A = arith.andi %ne3A_15, %ne3A_10 : i1
    %add3A_16 = arith.addi %rem3A, %select_n3A : i32
    %select_n3A_17 = arith.select %and3A, %add3A_16, %rem3A : i32
    %ge3A = arith.constant 6 : i32
    %ge3A_18 = arith.cmpi sge, %arg0, %ge3A : i32
    %convert_element_type3A_19 = arith.extui %ge3A_18 : i1 to i32
    %cond3A_20 = arith.constant 0 : i32
    %cond3A_21 = arith.cmpi ne, %convert_element_type3A_19, %cond3A_20 : i32
    scf.if %cond3A_21 {
      %sub3A = arith.constant 6 : i32
      %sub3A_96 = arith.subi %arg0, %sub3A : i32
      %mul3A = arith.constant 256 : i32
      %mul3A_97 = arith.muli %sub3A_96, %mul3A : i32
      %dma_wait3A = tpu.memref_slice %arg14[%select_n3A_17] : memref<2x!tpu.dma_semaphore, #tpu.memory_space<semaphore_mem>> -> memref<1x!tpu.dma_semaphore, #tpu.memory_space<semaphore_mem>>
      %dma_wait3A_98 = tpu.memref_squeeze %dma_wait3A : memref<1x!tpu.dma_semaphore, #tpu.memory_space<semaphore_mem>> -> memref<!tpu.dma_semaphore, #tpu.memory_space<semaphore_mem>>
      %dma_wait3A_99 = arith.constant 0 : i32
      %dma_wait3A_100 = arith.constant 0 : i32
      %dma_wait3A_101 = tpu.memref_slice %arg13[%select_n3A_17, %dma_wait3A_99, %dma_wait3A_100] : memref<2x256x128xf32, #tpu.memory_space<vmem>> -> memref<1x256x128xf32, #tpu.memory_space<vmem>>
      %dma_wait3A_102 = tpu.memref_squeeze %dma_wait3A_101 : memref<1x256x128xf32, #tpu.memory_space<vmem>> -> memref<256x128xf32, #tpu.memory_space<vmem>>
      %dma_wait3A_103 = arith.constant 0 : i32
      %dma_wait3A_104 = tpu.memref_slice %arg3[%mul3A_97, %dma_wait3A_103] : memref<512x128xf32, #tpu.memory_space<any>> -> memref<256x128xf32, #tpu.memory_space<any>>
      tpu.wait_dma2 semaphore(%dma_wait3A_98 : memref<!tpu.dma_semaphore, #tpu.memory_space<semaphore_mem>>) src(%dma_wait3A_104 : memref<256x128xf32, #tpu.memory_space<any>>) dst(%dma_wait3A_102 : memref<256x128xf32, #tpu.memory_space<vmem>>)
    } else {
    }
    %lt3A_22 = arith.constant 6 : i32
    %lt3A_23 = arith.cmpi slt, %arg0, %lt3A_22 : i32
    %convert_element_type3A_24 = arith.extui %lt3A_23 : i1 to i32
    %cond3A_25 = arith.constant 0 : i32
    %cond3A_26 = arith.cmpi ne, %convert_element_type3A_24, %cond3A_25 : i32
    scf.if %cond3A_26 {
      %scan3A = arith.constant 0 : i32
      %scan3A_96 = arith.constant 256 : i32
      %scan3A_97 = arith.addi %scan3A, %scan3A_96 : i32
      %scan3A_98 = arith.constant 1 : i32
      scf.for %scan3A_100 = %scan3A to %scan3A_97 step %scan3A_98  : i32 {
        %mul3A = arith.constant 256 : i32
        %mul3A_101 = arith.muli %arg0, %mul3A : i32
        %add3A_102 = arith.addi %mul3A_101, %scan3A_100 : i32
        %get3A_103 = arith.index_cast %add3A_102 : i32 to index
        %get3A_104 = memref.load %arg1[%get3A_103] : memref<2048xi32, #tpu.memory_space<smem>>
        %dma_wait3A = tpu.memref_slice %arg14[%select_n3A_17] : memref<2x!tpu.dma_semaphore, #tpu.memory_space<semaphore_mem>> -> memref<1x!tpu.dma_semaphore, #tpu.memory_space<semaphore_mem>>
        %dma_wait3A_105 = tpu.memref_squeeze %dma_wait3A : memref<1x!tpu.dma_semaphore, #tpu.memory_space<semaphore_mem>> -> memref<!tpu.dma_semaphore, #tpu.memory_space<semaphore_mem>>
        %dma_wait3A_106 = arith.constant 0 : i32
        %dma_wait3A_107 = tpu.memref_slice %arg13[%select_n3A_17, %scan3A_100, %dma_wait3A_106] : memref<2x256x128xf32, #tpu.memory_space<vmem>> -> memref<1x1x128xf32, #tpu.memory_space<vmem>>
        %dma_wait3A_108 = tpu.memref_squeeze %dma_wait3A_107 : memref<1x1x128xf32, #tpu.memory_space<vmem>> -> memref<1x128xf32, #tpu.memory_space<vmem>>
        %dma_wait3A_109 = arith.constant 0 : i32
        %dma_wait3A_110 = tpu.memref_slice %arg2[%get3A_104, %dma_wait3A_109] : memref<32768x128xf32, #tpu.memory_space<any>> -> memref<1x128xf32, #tpu.memory_space<any>>
        tpu.wait_dma2 semaphore(%dma_wait3A_105 : memref<!tpu.dma_semaphore, #tpu.memory_space<semaphore_mem>>) src(%dma_wait3A_110 : memref<1x128xf32, #tpu.memory_space<any>>) dst(%dma_wait3A_108 : memref<1x128xf32, #tpu.memory_space<vmem>>)
      }
      %scan3A_99 = arith.constant 256 : i32
    } else {
    }
    %jit3A_27 = arith.constant 2 : i32
    %eq3A_28 = arith.constant 0 : i32
    %eq3A_29 = arith.cmpi eq, %jit3A_27, %eq3A_28 : i32
    %jit3A_30 = arith.constant 1 : i32
    %select_n3A_31 = arith.select %eq3A_29, %jit3A_30, %jit3A_27 : i32
    %rem3A_32 = arith.remsi %arg0, %select_n3A_31 : i32
    %ne3A_33 = arith.constant 0 : i32
    %ne3A_34 = arith.cmpi ne, %rem3A_32, %ne3A_33 : i32
    %lt3A_35 = arith.constant 0 : i32
    %lt3A_36 = arith.cmpi slt, %rem3A_32, %lt3A_35 : i32
    %lt3A_37 = arith.constant 0 : i32
    %lt3A_38 = arith.cmpi slt, %select_n3A_31, %lt3A_37 : i32
    %ne3A_39 = arith.xori %lt3A_36, %lt3A_38 : i1
    %and3A_40 = arith.andi %ne3A_39, %ne3A_34 : i1
    %add3A_41 = arith.addi %rem3A_32, %select_n3A_31 : i32
    %select_n3A_42 = arith.select %and3A_40, %add3A_41, %rem3A_32 : i32
    %get3A = arith.index_cast %select_n3A_42 : i32 to index
    %get3A_43 = arith.constant 0 : index
    %get3A_44 = arith.constant 0 : index
    %get3A_45 = vector.load %arg13[%get3A, %get3A_43, %get3A_44] : memref<2x256x128xf32, #tpu.memory_space<vmem>>, vector<1x256x128xf32>
    %get3A_46 = vector.shape_cast %get3A_45 : vector<1x256x128xf32> to vector<256x128xf32>
    %get3A_47 = arith.constant 0 : index
    %get3A_48 = arith.constant 0 : index
    %get3A_49 = vector.load %arg4[%get3A_47, %get3A_48] : memref<128x256xf32, #tpu.memory_space<vmem>>, vector<128x256xf32>
    %dot_general3A = arith.constant dense<0.000000e+00> : vector<256x256xf32>
    %dot_general3A_50 = tpu.matmul %get3A_46, %get3A_49, %dot_general3A {dimension_numbers = #tpu.dot_dimension_numbers<[1], [0], [0], [1], [0, 0, 1, 1], [], []>, transpose_lhs_hint = false} : vector<256x128xf32>, vector<128x256xf32>, vector<256x256xf32> -> vector<256x256xf32>
    %get3A_51 = arith.constant 0 : index
    %get3A_52 = arith.constant 0 : index
    %get3A_53 = vector.load %arg5[%get3A_51, %get3A_52] : memref<1x256xf32, #tpu.memory_space<vmem>>, vector<1x256xf32>
    %add3A_54 = vector.broadcast %get3A_53 : vector<1x256xf32> to vector<256x256xf32>
    %add3A_55 = arith.addf %dot_general3A_50, %add3A_54 : vector<256x256xf32>
    %max3A = arith.constant 0.000000e+00 : f32
    %max3A_56 = vector.broadcast %max3A : f32 to vector<256x256xf32>
    %max3A_57 = arith.maximumf %add3A_55, %max3A_56 : vector<256x256xf32>
    %get3A_58 = arith.constant 0 : index
    %get3A_59 = arith.constant 0 : index
    %get3A_60 = vector.load %arg6[%get3A_58, %get3A_59] : memref<256x512xf32, #tpu.memory_space<vmem>>, vector<256x512xf32>
    %dot_general3A_61 = arith.constant dense<0.000000e+00> : vector<256x512xf32>
    %dot_general3A_62 = tpu.matmul %max3A_57, %get3A_60, %dot_general3A_61 {dimension_numbers = #tpu.dot_dimension_numbers<[1], [0], [0], [1], [0, 0, 1, 1], [], []>, transpose_lhs_hint = false} : vector<256x256xf32>, vector<256x512xf32>, vector<256x512xf32> -> vector<256x512xf32>
    %get3A_63 = arith.constant 0 : index
    %get3A_64 = arith.constant 0 : index
    %get3A_65 = vector.load %arg7[%get3A_63, %get3A_64] : memref<1x512xf32, #tpu.memory_space<vmem>>, vector<1x512xf32>
    %add3A_66 = vector.broadcast %get3A_65 : vector<1x512xf32> to vector<256x512xf32>
    %add3A_67 = arith.addf %dot_general3A_62, %add3A_66 : vector<256x512xf32>
    %max3A_68 = arith.constant 0.000000e+00 : f32
    %max3A_69 = vector.broadcast %max3A_68 : f32 to vector<256x512xf32>
    %max3A_70 = arith.maximumf %add3A_67, %max3A_69 : vector<256x512xf32>
    %get3A_71 = arith.constant 0 : index
    %get3A_72 = arith.constant 0 : index
    %get3A_73 = vector.load %arg8[%get3A_71, %get3A_72] : memref<512x768xf32, #tpu.memory_space<vmem>>, vector<512x768xf32>
    %dot_general3A_74 = arith.constant dense<0.000000e+00> : vector<256x768xf32>
    %dot_general3A_75 = tpu.matmul %max3A_70, %get3A_73, %dot_general3A_74 {dimension_numbers = #tpu.dot_dimension_numbers<[1], [0], [0], [1], [0, 0, 1, 1], [], []>, transpose_lhs_hint = false} : vector<256x512xf32>, vector<512x768xf32>, vector<256x768xf32> -> vector<256x768xf32>
    %get3A_76 = arith.constant 0 : index
    %get3A_77 = arith.constant 0 : index
    %get3A_78 = vector.load %arg9[%get3A_76, %get3A_77] : memref<1x768xf32, #tpu.memory_space<vmem>>, vector<1x768xf32>
    %add3A_79 = vector.broadcast %get3A_78 : vector<1x768xf32> to vector<256x768xf32>
    %add3A_80 = arith.addf %dot_general3A_75, %add3A_79 : vector<256x768xf32>
    %max3A_81 = arith.constant 0.000000e+00 : f32
    %max3A_82 = vector.broadcast %max3A_81 : f32 to vector<256x768xf32>
    %max3A_83 = arith.maximumf %add3A_80, %max3A_82 : vector<256x768xf32>
    %get3A_84 = arith.constant 0 : index
    %get3A_85 = arith.constant 0 : index
    %get3A_86 = vector.load %arg10[%get3A_84, %get3A_85] : memref<768x768xf32, #tpu.memory_space<vmem>>, vector<768x768xf32>
    %dot_general3A_87 = arith.constant dense<0.000000e+00> : vector<256x768xf32>
    %dot_general3A_88 = tpu.matmul %max3A_83, %get3A_86, %dot_general3A_87 {dimension_numbers = #tpu.dot_dimension_numbers<[1], [0], [0], [1], [0, 0, 1, 1], [], []>, transpose_lhs_hint = false} : vector<256x768xf32>, vector<768x768xf32>, vector<256x768xf32> -> vector<256x768xf32>
    %get3A_89 = arith.constant 0 : index
    %get3A_90 = arith.constant 0 : index
    %get3A_91 = vector.load %arg11[%get3A_89, %get3A_90] : memref<1x768xf32, #tpu.memory_space<vmem>>, vector<1x768xf32>
    %add3A_92 = vector.broadcast %get3A_91 : vector<1x768xf32> to vector<256x768xf32>
    %add3A_93 = arith.addf %dot_general3A_88, %add3A_92 : vector<256x768xf32>
    %swap3A = arith.constant 0 : index
    %swap3A_94 = arith.constant 0 : index
    %swap3A_95 = vector.load %arg12[%swap3A, %swap3A_94] : memref<256x768xf32, #tpu.memory_space<vmem>>, vector<256x768xf32>
    tpu.vector_store %arg12[%swap3A, %swap3A_94], %add3A_93 {strides = array<i32>} : memref<256x768xf32, #tpu.memory_space<vmem>>, vector<256x768xf32>,
    return
  }
  func.func @transform_2(%arg0: i32, %arg1: memref<2048xi32, #tpu.memory_space<smem>>) -> (i32, i32) {
    %c0_i32 = arith.constant 0 : i32
    %c0_i32_0 = arith.constant 0 : i32
    %c0_i32_1 = arith.constant 0 : i32
    return %c0_i32, %c0_i32_0 : i32, i32
  }
  func.func @transform_3(%arg0: i32, %arg1: memref<2048xi32, #tpu.memory_space<smem>>) -> (i32, i32) {
    %c0_i32 = arith.constant 0 : i32
    %c0_i32_0 = arith.constant 0 : i32
    %c0_i32_1 = arith.constant 0 : i32
    return %c0_i32, %c0_i32_0 : i32, i32
  }
  func.func @transform_4(%arg0: i32, %arg1: memref<2048xi32, #tpu.memory_space<smem>>) -> (i32, i32) {
    %c0_i32 = arith.constant 0 : i32
    %c0_i32_0 = arith.constant 0 : i32
    %c0_i32_1 = arith.constant 0 : i32
    return %c0_i32, %c0_i32_0 : i32, i32
  }
  func.func @transform_5(%arg0: i32, %arg1: memref<2048xi32, #tpu.memory_space<smem>>) -> (i32, i32) {
    %c0_i32 = arith.constant 0 : i32
    %c0_i32_0 = arith.constant 0 : i32
    %c0_i32_1 = arith.constant 0 : i32
    return %c0_i32, %c0_i32_0 : i32, i32
  }
  func.func @transform_6(%arg0: i32, %arg1: memref<2048xi32, #tpu.memory_space<smem>>) -> (i32, i32) {
    %c0_i32 = arith.constant 0 : i32
    %c0_i32_0 = arith.constant 0 : i32
    %c0_i32_1 = arith.constant 0 : i32
    return %c0_i32, %c0_i32_0 : i32, i32
  }
  func.func @transform_7(%arg0: i32, %arg1: memref<2048xi32, #tpu.memory_space<smem>>) -> (i32, i32) {
    %c0_i32 = arith.constant 0 : i32
    %c0_i32_0 = arith.constant 0 : i32
    %c0_i32_1 = arith.constant 0 : i32
    return %c0_i32, %c0_i32_0 : i32, i32
  }
  func.func @transform_8(%arg0: i32, %arg1: memref<2048xi32, #tpu.memory_space<smem>>) -> (i32, i32) {
    %c0_i32 = arith.constant 0 : i32
    %c0_i32_0 = arith.constant 0 : i32
    %c0_i32_1 = arith.constant 0 : i32
    return %c0_i32, %c0_i32_0 : i32, i32
  }
  func.func @transform_9(%arg0: i32, %arg1: memref<2048xi32, #tpu.memory_space<smem>>) -> (i32, i32) {
    %c0_i32 = arith.constant 0 : i32
    %c0_i32_0 = arith.constant 0 : i32
    %c0_i32_1 = arith.constant 0 : i32
    return %c0_i32, %c0_i32_0 : i32, i32
  }
  func.func @transform_10(%arg0: i32, %arg1: memref<2048xi32, #tpu.memory_space<smem>>) -> (i32, i32) {
    %c0_i32 = arith.constant 0 : i32
    %c0_i32_0 = arith.constant 0 : i32
    return %arg0, %c0_i32 : i32, i32
  }
}

module attributes {stable_mosaic.version = 14 : i64} {
  func.func @_attn_body(%arg0: memref<2048x768xf32, #tpu.memory_space<vmem>>, %arg1: memref<2048x1xi32, #tpu.memory_space<vmem>>, %arg2: memref<4x256x128xf32, #tpu.memory_space<vmem>>, %arg3: memref<128x4xf32, #tpu.memory_space<vmem>>, %arg4: memref<1x768xf32, #tpu.memory_space<vmem>>, %arg5: memref<768x768xf32, #tpu.memory_space<vmem>>, %arg6: memref<1x768xf32, #tpu.memory_space<vmem>>, %arg7: memref<768x768xf32, #tpu.memory_space<vmem>>, %arg8: memref<1x768xf32, #tpu.memory_space<vmem>>, %arg9: memref<4x768xf32, #tpu.memory_space<vmem>>, %arg10: memref<1x768xf32, #tpu.memory_space<vmem>>, %arg11: memref<768x768xf32, #tpu.memory_space<vmem>>, %arg12: memref<1x768xf32, #tpu.memory_space<vmem>>, %arg13: memref<768x768xf32, #tpu.memory_space<vmem>>, %arg14: memref<1x768xf32, #tpu.memory_space<vmem>>, %arg15: memref<128x768xf32, #tpu.memory_space<vmem>>) attributes {dimension_semantics = [], scalar_prefetch = 0 : i64, scratch_operands = 0 : i64, tpu.core_type = #tpu.core_type<tc>} {
    %get3A = arith.constant 0 : index
    %get3A_0 = arith.constant 0 : index
    %get3A_1 = vector.load %arg0[%get3A, %get3A_0] : memref<2048x768xf32, #tpu.memory_space<vmem>>, vector<2048x768xf32>
    %get3A_2 = arith.constant 0 : index
    %get3A_3 = arith.constant 0 : index
    %get3A_4 = vector.load %arg4[%get3A_2, %get3A_3] : memref<1x768xf32, #tpu.memory_space<vmem>>, vector<1x768xf32>
    %pow3A = arith.constant 7.680000e+02 : f32
    %pow3A_5 = arith.constant -5.000000e-01 : f32
    %pow3A_6 = math.powf %pow3A, %pow3A_5 : f32
    %get3A_7 = arith.constant 0 : index
    %get3A_8 = arith.constant 0 : index
    %get3A_9 = vector.load %arg5[%get3A_7, %get3A_8] : memref<768x768xf32, #tpu.memory_space<vmem>>, vector<768x768xf32>
    %dot_general3A = arith.constant dense<0.000000e+00> : vector<1x768xf32>
    %dot_general3A_10 = tpu.matmul %get3A_4, %get3A_9, %dot_general3A {dimension_numbers = #tpu.dot_dimension_numbers<[1], [1], [0], [0], [0, 0, 1, 0], [], []>, transpose_lhs_hint = false} : vector<1x768xf32>, vector<768x768xf32>, vector<1x768xf32> -> vector<1x768xf32>
    %get3A_11 = arith.constant 0 : index
    %get3A_12 = arith.constant 0 : index
    %get3A_13 = vector.load %arg9[%get3A_11, %get3A_12] : memref<4x768xf32, #tpu.memory_space<vmem>>, vector<4x768xf32>
    %dot_general3A_14 = arith.constant dense<0.000000e+00> : vector<1x4xf32>
    %dot_general3A_15 = tpu.matmul %get3A_4, %get3A_13, %dot_general3A_14 {dimension_numbers = #tpu.dot_dimension_numbers<[1], [1], [0], [0], [0, 0, 1, 0], [], []>, transpose_lhs_hint = false} : vector<1x768xf32>, vector<4x768xf32>, vector<1x4xf32> -> vector<1x4xf32>
    %get3A_16 = arith.constant 0 : index
    %get3A_17 = arith.constant 0 : index
    %get3A_18 = vector.load %arg6[%get3A_16, %get3A_17] : memref<1x768xf32, #tpu.memory_space<vmem>>, vector<1x768xf32>
    %get3A_19 = arith.constant 0 : index
    %get3A_20 = arith.constant 0 : index
    %get3A_21 = vector.load %arg10[%get3A_19, %get3A_20] : memref<1x768xf32, #tpu.memory_space<vmem>>, vector<1x768xf32>
    %add3A = arith.addf %get3A_18, %get3A_21 : vector<1x768xf32>
    %mul3A = arith.mulf %get3A_4, %add3A : vector<1x768xf32>
    %reduce_sum3A = vector.shape_cast %mul3A : vector<1x768xf32> to vector<1x1x768xf32>
    %reduce_sum3A_22 = arith.constant dense<0.000000e+00> : vector<1xf32>
    %reduce_sum3A_23 = vector.multi_reduction <add>, %reduce_sum3A, %reduce_sum3A_22 [1, 2] : vector<1x1x768xf32> to vector<1xf32>
    %reduce_sum3A_24 = vector.shape_cast %reduce_sum3A_23 : vector<1xf32> to vector<1x1x1xf32>
    %reduce_sum3A_25 = vector.extract %reduce_sum3A_24[0, 0, 0] : f32 from vector<1x1x1xf32>
    %dot_general3A_26 = arith.constant dense<0.000000e+00> : vector<1x2048xf32>
    %dot_general3A_27 = tpu.matmul %dot_general3A_10, %get3A_1, %dot_general3A_26 {dimension_numbers = #tpu.dot_dimension_numbers<[1], [1], [0], [0], [0, 0, 1, 0], [], []>, transpose_lhs_hint = false} : vector<1x768xf32>, vector<2048x768xf32>, vector<1x2048xf32> -> vector<1x2048xf32>
    %slice3A = vector.extract_strided_slice %dot_general3A_15 {offsets = [0, 0], sizes = [1, 1], strides = [1, 1]} : vector<1x4xf32> to vector<1x1xf32>
    %squeeze3A = vector.extract %slice3A[0, 0] : f32 from vector<1x1xf32>
    %get3A_28 = arith.constant 0 : index
    %get3A_29 = arith.constant 0 : index
    %get3A_30 = arith.constant 0 : index
    %get3A_31 = vector.load %arg2[%get3A_28, %get3A_29, %get3A_30] : memref<4x256x128xf32, #tpu.memory_space<vmem>>, vector<1x256x128xf32>
    %get3A_32 = vector.shape_cast %get3A_31 : vector<1x256x128xf32> to vector<256x128xf32>
    %mul3A_33 = vector.broadcast %squeeze3A : f32 to vector<256x128xf32>
    %mul3A_34 = arith.mulf %mul3A_33, %get3A_32 : vector<256x128xf32>
    %slice3A_35 = vector.extract_strided_slice %dot_general3A_15 {offsets = [0, 1], sizes = [1, 1], strides = [1, 1]} : vector<1x4xf32> to vector<1x1xf32>
    %squeeze3A_36 = vector.extract %slice3A_35[0, 0] : f32 from vector<1x1xf32>
    %get3A_37 = arith.constant 1 : index
    %get3A_38 = arith.constant 0 : index
    %get3A_39 = arith.constant 0 : index
    %get3A_40 = vector.load %arg2[%get3A_37, %get3A_38, %get3A_39] : memref<4x256x128xf32, #tpu.memory_space<vmem>>, vector<1x256x128xf32>
    %get3A_41 = vector.shape_cast %get3A_40 : vector<1x256x128xf32> to vector<256x128xf32>
    %mul3A_42 = vector.broadcast %squeeze3A_36 : f32 to vector<256x128xf32>
    %mul3A_43 = arith.mulf %mul3A_42, %get3A_41 : vector<256x128xf32>
    %add3A_44 = arith.addf %mul3A_34, %mul3A_43 : vector<256x128xf32>
    %slice3A_45 = vector.extract_strided_slice %dot_general3A_15 {offsets = [0, 2], sizes = [1, 1], strides = [1, 1]} : vector<1x4xf32> to vector<1x1xf32>
    %squeeze3A_46 = vector.extract %slice3A_45[0, 0] : f32 from vector<1x1xf32>
    %get3A_47 = arith.constant 2 : index
    %get3A_48 = arith.constant 0 : index
    %get3A_49 = arith.constant 0 : index
    %get3A_50 = vector.load %arg2[%get3A_47, %get3A_48, %get3A_49] : memref<4x256x128xf32, #tpu.memory_space<vmem>>, vector<1x256x128xf32>
    %get3A_51 = vector.shape_cast %get3A_50 : vector<1x256x128xf32> to vector<256x128xf32>
    %mul3A_52 = vector.broadcast %squeeze3A_46 : f32 to vector<256x128xf32>
    %mul3A_53 = arith.mulf %mul3A_52, %get3A_51 : vector<256x128xf32>
    %add3A_54 = arith.addf %add3A_44, %mul3A_53 : vector<256x128xf32>
    %slice3A_55 = vector.extract_strided_slice %dot_general3A_15 {offsets = [0, 3], sizes = [1, 1], strides = [1, 1]} : vector<1x4xf32> to vector<1x1xf32>
    %squeeze3A_56 = vector.extract %slice3A_55[0, 0] : f32 from vector<1x1xf32>
    %get3A_57 = arith.constant 3 : index
    %get3A_58 = arith.constant 0 : index
    %get3A_59 = arith.constant 0 : index
    %get3A_60 = vector.load %arg2[%get3A_57, %get3A_58, %get3A_59] : memref<4x256x128xf32, #tpu.memory_space<vmem>>, vector<1x256x128xf32>
    %get3A_61 = vector.shape_cast %get3A_60 : vector<1x256x128xf32> to vector<256x128xf32>
    %mul3A_62 = vector.broadcast %squeeze3A_56 : f32 to vector<256x128xf32>
    %mul3A_63 = arith.mulf %mul3A_62, %get3A_61 : vector<256x128xf32>
    %add3A_64 = arith.addf %add3A_54, %mul3A_63 : vector<256x128xf32>
    %get3A_65 = arith.constant 0 : index
    %get3A_66 = arith.constant 0 : index
    %get3A_67 = vector.load %arg1[%get3A_65, %get3A_66] : memref<2048x1xi32, #tpu.memory_space<vmem>>, vector<2048x1xi32>
    %div3A = arith.constant 128 : i32
    %div3A_68 = vector.broadcast %div3A : i32 to vector<2048x1xi32>
    %div3A_69 = arith.divsi %get3A_67, %div3A_68 : vector<2048x1xi32>
    %mul3A_70 = arith.constant 128 : i32
    %mul3A_71 = vector.broadcast %mul3A_70 : i32 to vector<2048x1xi32>
    %mul3A_72 = arith.muli %div3A_69, %mul3A_71 : vector<2048x1xi32>
    %sub3A = arith.subi %get3A_67, %mul3A_72 : vector<2048x1xi32>
    %iota3A = tpu.iota {dimensions = array<i32: 1>} : vector<2048x256xi32>
    %eq3A = vector.broadcast %div3A_69 : vector<2048x1xi32> to vector<2048x256xi32>
    %eq3A_73 = arith.cmpi eq, %iota3A, %eq3A : vector<2048x256xi32>
    %convert_element_type3A = arith.extui %eq3A_73 : vector<2048x256xi1> to vector<2048x256xi32>
    %convert_element_type3A_74 = arith.sitofp %convert_element_type3A : vector<2048x256xi32> to vector<2048x256xf32>
    %dot_general3A_75 = arith.constant dense<0.000000e+00> : vector<2048x128xf32>
    %dot_general3A_76 = tpu.matmul %convert_element_type3A_74, %add3A_64, %dot_general3A_75 {dimension_numbers = #tpu.dot_dimension_numbers<[1], [0], [0], [1], [0, 0, 1, 1], [], []>, transpose_lhs_hint = false} : vector<2048x256xf32>, vector<256x128xf32>, vector<2048x128xf32> -> vector<2048x128xf32>
    %iota3A_77 = tpu.iota {dimensions = array<i32: 1>} : vector<2048x128xi32>
    %eq3A_78 = vector.broadcast %sub3A : vector<2048x1xi32> to vector<2048x128xi32>
    %eq3A_79 = arith.cmpi eq, %iota3A_77, %eq3A_78 : vector<2048x128xi32>
    %convert_element_type3A_80 = arith.extui %eq3A_79 : vector<2048x128xi1> to vector<2048x128xi32>
    %convert_element_type3A_81 = arith.sitofp %convert_element_type3A_80 : vector<2048x128xi32> to vector<2048x128xf32>
    %broadcast_in_dim3A = arith.constant 1.000000e+00 : f32
    %broadcast_in_dim3A_82 = vector.broadcast %broadcast_in_dim3A : f32 to vector<1x128xf32>
    %mul3A_83 = arith.mulf %dot_general3A_76, %convert_element_type3A_81 : vector<2048x128xf32>
    %dot_general3A_84 = arith.constant dense<0.000000e+00> : vector<1x2048xf32>
    %dot_general3A_85 = tpu.matmul %broadcast_in_dim3A_82, %mul3A_83, %dot_general3A_84 {dimension_numbers = #tpu.dot_dimension_numbers<[1], [1], [0], [0], [0, 0, 1, 0], [], []>, transpose_lhs_hint = false} : vector<1x128xf32>, vector<2048x128xf32>, vector<1x2048xf32> -> vector<1x2048xf32>
    %get3A_86 = arith.constant 0 : index
    %get3A_87 = arith.constant 0 : index
    %get3A_88 = vector.load %arg3[%get3A_86, %get3A_87] : memref<128x4xf32, #tpu.memory_space<vmem>>, vector<128x4xf32>
    %dot_general3A_89 = arith.constant dense<0.000000e+00> : vector<1x128xf32>
    %dot_general3A_90 = tpu.matmul %dot_general3A_15, %get3A_88, %dot_general3A_89 {dimension_numbers = #tpu.dot_dimension_numbers<[1], [1], [0], [0], [0, 0, 1, 0], [], []>, transpose_lhs_hint = false} : vector<1x4xf32>, vector<128x4xf32>, vector<1x128xf32> -> vector<1x128xf32>
    %slice3A_91 = vector.extract_strided_slice %dot_general3A_27 {offsets = [0, 0], sizes = [1, 128], strides = [1, 1]} : vector<1x2048xf32> to vector<1x128xf32>
    %slice3A_92 = vector.extract_strided_slice %dot_general3A_85 {offsets = [0, 0], sizes = [1, 128], strides = [1, 1]} : vector<1x2048xf32> to vector<1x128xf32>
    %add3A_93 = arith.addf %slice3A_91, %slice3A_92 : vector<1x128xf32>
    %sub3A_94 = arith.subf %add3A_93, %dot_general3A_90 : vector<1x128xf32>
    %add3A_95 = vector.broadcast %reduce_sum3A_25 : f32 to vector<1x128xf32>
    %add3A_96 = arith.addf %sub3A_94, %add3A_95 : vector<1x128xf32>
    %mul3A_97 = vector.broadcast %pow3A_6 : f32 to vector<1x128xf32>
    %mul3A_98 = arith.mulf %add3A_96, %mul3A_97 : vector<1x128xf32>
    %slice3A_99 = vector.extract_strided_slice %dot_general3A_27 {offsets = [0, 128], sizes = [1, 128], strides = [1, 1]} : vector<1x2048xf32> to vector<1x128xf32>
    %slice3A_100 = vector.extract_strided_slice %dot_general3A_85 {offsets = [0, 128], sizes = [1, 128], strides = [1, 1]} : vector<1x2048xf32> to vector<1x128xf32>
    %add3A_101 = arith.addf %slice3A_99, %slice3A_100 : vector<1x128xf32>
    %sub3A_102 = arith.subf %add3A_101, %dot_general3A_90 : vector<1x128xf32>
    %add3A_103 = vector.broadcast %reduce_sum3A_25 : f32 to vector<1x128xf32>
    %add3A_104 = arith.addf %sub3A_102, %add3A_103 : vector<1x128xf32>
    %mul3A_105 = vector.broadcast %pow3A_6 : f32 to vector<1x128xf32>
    %mul3A_106 = arith.mulf %add3A_104, %mul3A_105 : vector<1x128xf32>
    %slice3A_107 = vector.extract_strided_slice %dot_general3A_27 {offsets = [0, 256], sizes = [1, 128], strides = [1, 1]} : vector<1x2048xf32> to vector<1x128xf32>
    %slice3A_108 = vector.extract_strided_slice %dot_general3A_85 {offsets = [0, 256], sizes = [1, 128], strides = [1, 1]} : vector<1x2048xf32> to vector<1x128xf32>
    %add3A_109 = arith.addf %slice3A_107, %slice3A_108 : vector<1x128xf32>
    %sub3A_110 = arith.subf %add3A_109, %dot_general3A_90 : vector<1x128xf32>
    %add3A_111 = vector.broadcast %reduce_sum3A_25 : f32 to vector<1x128xf32>
    %add3A_112 = arith.addf %sub3A_110, %add3A_111 : vector<1x128xf32>
    %mul3A_113 = vector.broadcast %pow3A_6 : f32 to vector<1x128xf32>
    %mul3A_114 = arith.mulf %add3A_112, %mul3A_113 : vector<1x128xf32>
    %slice3A_115 = vector.extract_strided_slice %dot_general3A_27 {offsets = [0, 384], sizes = [1, 128], strides = [1, 1]} : vector<1x2048xf32> to vector<1x128xf32>
    %slice3A_116 = vector.extract_strided_slice %dot_general3A_85 {offsets = [0, 384], sizes = [1, 128], strides = [1, 1]} : vector<1x2048xf32> to vector<1x128xf32>
    %add3A_117 = arith.addf %slice3A_115, %slice3A_116 : vector<1x128xf32>
    %sub3A_118 = arith.subf %add3A_117, %dot_general3A_90 : vector<1x128xf32>
    %add3A_119 = vector.broadcast %reduce_sum3A_25 : f32 to vector<1x128xf32>
    %add3A_120 = arith.addf %sub3A_118, %add3A_119 : vector<1x128xf32>
    %mul3A_121 = vector.broadcast %pow3A_6 : f32 to vector<1x128xf32>
    %mul3A_122 = arith.mulf %add3A_120, %mul3A_121 : vector<1x128xf32>
    %slice3A_123 = vector.extract_strided_slice %dot_general3A_27 {offsets = [0, 512], sizes = [1, 128], strides = [1, 1]} : vector<1x2048xf32> to vector<1x128xf32>
    %slice3A_124 = vector.extract_strided_slice %dot_general3A_85 {offsets = [0, 512], sizes = [1, 128], strides = [1, 1]} : vector<1x2048xf32> to vector<1x128xf32>
    %add3A_125 = arith.addf %slice3A_123, %slice3A_124 : vector<1x128xf32>
    %sub3A_126 = arith.subf %add3A_125, %dot_general3A_90 : vector<1x128xf32>
    %add3A_127 = vector.broadcast %reduce_sum3A_25 : f32 to vector<1x128xf32>
    %add3A_128 = arith.addf %sub3A_126, %add3A_127 : vector<1x128xf32>
    %mul3A_129 = vector.broadcast %pow3A_6 : f32 to vector<1x128xf32>
    %mul3A_130 = arith.mulf %add3A_128, %mul3A_129 : vector<1x128xf32>
    %slice3A_131 = vector.extract_strided_slice %dot_general3A_27 {offsets = [0, 640], sizes = [1, 128], strides = [1, 1]} : vector<1x2048xf32> to vector<1x128xf32>
    %slice3A_132 = vector.extract_strided_slice %dot_general3A_85 {offsets = [0, 640], sizes = [1, 128], strides = [1, 1]} : vector<1x2048xf32> to vector<1x128xf32>
    %add3A_133 = arith.addf %slice3A_131, %slice3A_132 : vector<1x128xf32>
    %sub3A_134 = arith.subf %add3A_133, %dot_general3A_90 : vector<1x128xf32>
    %add3A_135 = vector.broadcast %reduce_sum3A_25 : f32 to vector<1x128xf32>
    %add3A_136 = arith.addf %sub3A_134, %add3A_135 : vector<1x128xf32>
    %mul3A_137 = vector.broadcast %pow3A_6 : f32 to vector<1x128xf32>
    %mul3A_138 = arith.mulf %add3A_136, %mul3A_137 : vector<1x128xf32>
    %slice3A_139 = vector.extract_strided_slice %dot_general3A_27 {offsets = [0, 768], sizes = [1, 128], strides = [1, 1]} : vector<1x2048xf32> to vector<1x128xf32>
    %slice3A_140 = vector.extract_strided_slice %dot_general3A_85 {offsets = [0, 768], sizes = [1, 128], strides = [1, 1]} : vector<1x2048xf32> to vector<1x128xf32>
    %add3A_141 = arith.addf %slice3A_139, %slice3A_140 : vector<1x128xf32>
    %sub3A_142 = arith.subf %add3A_141, %dot_general3A_90 : vector<1x128xf32>
    %add3A_143 = vector.broadcast %reduce_sum3A_25 : f32 to vector<1x128xf32>
    %add3A_144 = arith.addf %sub3A_142, %add3A_143 : vector<1x128xf32>
    %mul3A_145 = vector.broadcast %pow3A_6 : f32 to vector<1x128xf32>
    %mul3A_146 = arith.mulf %add3A_144, %mul3A_145 : vector<1x128xf32>
    %slice3A_147 = vector.extract_strided_slice %dot_general3A_27 {offsets = [0, 896], sizes = [1, 128], strides = [1, 1]} : vector<1x2048xf32> to vector<1x128xf32>
    %slice3A_148 = vector.extract_strided_slice %dot_general3A_85 {offsets = [0, 896], sizes = [1, 128], strides = [1, 1]} : vector<1x2048xf32> to vector<1x128xf32>
    %add3A_149 = arith.addf %slice3A_147, %slice3A_148 : vector<1x128xf32>
    %sub3A_150 = arith.subf %add3A_149, %dot_general3A_90 : vector<1x128xf32>
    %add3A_151 = vector.broadcast %reduce_sum3A_25 : f32 to vector<1x128xf32>
    %add3A_152 = arith.addf %sub3A_150, %add3A_151 : vector<1x128xf32>
    %mul3A_153 = vector.broadcast %pow3A_6 : f32 to vector<1x128xf32>
    %mul3A_154 = arith.mulf %add3A_152, %mul3A_153 : vector<1x128xf32>
    %slice3A_155 = vector.extract_strided_slice %dot_general3A_27 {offsets = [0, 1024], sizes = [1, 128], strides = [1, 1]} : vector<1x2048xf32> to vector<1x128xf32>
    %slice3A_156 = vector.extract_strided_slice %dot_general3A_85 {offsets = [0, 1024], sizes = [1, 128], strides = [1, 1]} : vector<1x2048xf32> to vector<1x128xf32>
    %add3A_157 = arith.addf %slice3A_155, %slice3A_156 : vector<1x128xf32>
    %sub3A_158 = arith.subf %add3A_157, %dot_general3A_90 : vector<1x128xf32>
    %add3A_159 = vector.broadcast %reduce_sum3A_25 : f32 to vector<1x128xf32>
    %add3A_160 = arith.addf %sub3A_158, %add3A_159 : vector<1x128xf32>
    %mul3A_161 = vector.broadcast %pow3A_6 : f32 to vector<1x128xf32>
    %mul3A_162 = arith.mulf %add3A_160, %mul3A_161 : vector<1x128xf32>
    %slice3A_163 = vector.extract_strided_slice %dot_general3A_27 {offsets = [0, 1152], sizes = [1, 128], strides = [1, 1]} : vector<1x2048xf32> to vector<1x128xf32>
    %slice3A_164 = vector.extract_strided_slice %dot_general3A_85 {offsets = [0, 1152], sizes = [1, 128], strides = [1, 1]} : vector<1x2048xf32> to vector<1x128xf32>
    %add3A_165 = arith.addf %slice3A_163, %slice3A_164 : vector<1x128xf32>
    %sub3A_166 = arith.subf %add3A_165, %dot_general3A_90 : vector<1x128xf32>
    %add3A_167 = vector.broadcast %reduce_sum3A_25 : f32 to vector<1x128xf32>
    %add3A_168 = arith.addf %sub3A_166, %add3A_167 : vector<1x128xf32>
    %mul3A_169 = vector.broadcast %pow3A_6 : f32 to vector<1x128xf32>
    %mul3A_170 = arith.mulf %add3A_168, %mul3A_169 : vector<1x128xf32>
    %slice3A_171 = vector.extract_strided_slice %dot_general3A_27 {offsets = [0, 1280], sizes = [1, 128], strides = [1, 1]} : vector<1x2048xf32> to vector<1x128xf32>
    %slice3A_172 = vector.extract_strided_slice %dot_general3A_85 {offsets = [0, 1280], sizes = [1, 128], strides = [1, 1]} : vector<1x2048xf32> to vector<1x128xf32>
    %add3A_173 = arith.addf %slice3A_171, %slice3A_172 : vector<1x128xf32>
    %sub3A_174 = arith.subf %add3A_173, %dot_general3A_90 : vector<1x128xf32>
    %add3A_175 = vector.broadcast %reduce_sum3A_25 : f32 to vector<1x128xf32>
    %add3A_176 = arith.addf %sub3A_174, %add3A_175 : vector<1x128xf32>
    %mul3A_177 = vector.broadcast %pow3A_6 : f32 to vector<1x128xf32>
    %mul3A_178 = arith.mulf %add3A_176, %mul3A_177 : vector<1x128xf32>
    %slice3A_179 = vector.extract_strided_slice %dot_general3A_27 {offsets = [0, 1408], sizes = [1, 128], strides = [1, 1]} : vector<1x2048xf32> to vector<1x128xf32>
    %slice3A_180 = vector.extract_strided_slice %dot_general3A_85 {offsets = [0, 1408], sizes = [1, 128], strides = [1, 1]} : vector<1x2048xf32> to vector<1x128xf32>
    %add3A_181 = arith.addf %slice3A_179, %slice3A_180 : vector<1x128xf32>
    %sub3A_182 = arith.subf %add3A_181, %dot_general3A_90 : vector<1x128xf32>
    %add3A_183 = vector.broadcast %reduce_sum3A_25 : f32 to vector<1x128xf32>
    %add3A_184 = arith.addf %sub3A_182, %add3A_183 : vector<1x128xf32>
    %mul3A_185 = vector.broadcast %pow3A_6 : f32 to vector<1x128xf32>
    %mul3A_186 = arith.mulf %add3A_184, %mul3A_185 : vector<1x128xf32>
    %slice3A_187 = vector.extract_strided_slice %dot_general3A_27 {offsets = [0, 1536], sizes = [1, 128], strides = [1, 1]} : vector<1x2048xf32> to vector<1x128xf32>
    %slice3A_188 = vector.extract_strided_slice %dot_general3A_85 {offsets = [0, 1536], sizes = [1, 128], strides = [1, 1]} : vector<1x2048xf32> to vector<1x128xf32>
    %add3A_189 = arith.addf %slice3A_187, %slice3A_188 : vector<1x128xf32>
    %sub3A_190 = arith.subf %add3A_189, %dot_general3A_90 : vector<1x128xf32>
    %add3A_191 = vector.broadcast %reduce_sum3A_25 : f32 to vector<1x128xf32>
    %add3A_192 = arith.addf %sub3A_190, %add3A_191 : vector<1x128xf32>
    %mul3A_193 = vector.broadcast %pow3A_6 : f32 to vector<1x128xf32>
    %mul3A_194 = arith.mulf %add3A_192, %mul3A_193 : vector<1x128xf32>
    %slice3A_195 = vector.extract_strided_slice %dot_general3A_27 {offsets = [0, 1664], sizes = [1, 128], strides = [1, 1]} : vector<1x2048xf32> to vector<1x128xf32>
    %slice3A_196 = vector.extract_strided_slice %dot_general3A_85 {offsets = [0, 1664], sizes = [1, 128], strides = [1, 1]} : vector<1x2048xf32> to vector<1x128xf32>
    %add3A_197 = arith.addf %slice3A_195, %slice3A_196 : vector<1x128xf32>
    %sub3A_198 = arith.subf %add3A_197, %dot_general3A_90 : vector<1x128xf32>
    %add3A_199 = vector.broadcast %reduce_sum3A_25 : f32 to vector<1x128xf32>
    %add3A_200 = arith.addf %sub3A_198, %add3A_199 : vector<1x128xf32>
    %mul3A_201 = vector.broadcast %pow3A_6 : f32 to vector<1x128xf32>
    %mul3A_202 = arith.mulf %add3A_200, %mul3A_201 : vector<1x128xf32>
    %slice3A_203 = vector.extract_strided_slice %dot_general3A_27 {offsets = [0, 1792], sizes = [1, 128], strides = [1, 1]} : vector<1x2048xf32> to vector<1x128xf32>
    %slice3A_204 = vector.extract_strided_slice %dot_general3A_85 {offsets = [0, 1792], sizes = [1, 128], strides = [1, 1]} : vector<1x2048xf32> to vector<1x128xf32>
    %add3A_205 = arith.addf %slice3A_203, %slice3A_204 : vector<1x128xf32>
    %sub3A_206 = arith.subf %add3A_205, %dot_general3A_90 : vector<1x128xf32>
    %add3A_207 = vector.broadcast %reduce_sum3A_25 : f32 to vector<1x128xf32>
    %add3A_208 = arith.addf %sub3A_206, %add3A_207 : vector<1x128xf32>
    %mul3A_209 = vector.broadcast %pow3A_6 : f32 to vector<1x128xf32>
    %mul3A_210 = arith.mulf %add3A_208, %mul3A_209 : vector<1x128xf32>
    %slice3A_211 = vector.extract_strided_slice %dot_general3A_27 {offsets = [0, 1920], sizes = [1, 128], strides = [1, 1]} : vector<1x2048xf32> to vector<1x128xf32>
    %slice3A_212 = vector.extract_strided_slice %dot_general3A_85 {offsets = [0, 1920], sizes = [1, 128], strides = [1, 1]} : vector<1x2048xf32> to vector<1x128xf32>
    %add3A_213 = arith.addf %slice3A_211, %slice3A_212 : vector<1x128xf32>
    %sub3A_214 = arith.subf %add3A_213, %dot_general3A_90 : vector<1x128xf32>
    %add3A_215 = vector.broadcast %reduce_sum3A_25 : f32 to vector<1x128xf32>
    %add3A_216 = arith.addf %sub3A_214, %add3A_215 : vector<1x128xf32>
    %mul3A_217 = vector.broadcast %pow3A_6 : f32 to vector<1x128xf32>
    %mul3A_218 = arith.mulf %add3A_216, %mul3A_217 : vector<1x128xf32>
    %concatenate3A = tpu.concatenate %mul3A_98, %mul3A_106, %mul3A_114, %mul3A_122, %mul3A_130, %mul3A_138, %mul3A_146, %mul3A_154, %mul3A_162, %mul3A_170, %mul3A_178, %mul3A_186, %mul3A_194, %mul3A_202, %mul3A_210, %mul3A_218 in 0 : vector<1x128xf32>, vector<1x128xf32>, vector<1x128xf32>, vector<1x128xf32>, vector<1x128xf32>, vector<1x128xf32>, vector<1x128xf32>, vector<1x128xf32>, vector<1x128xf32>, vector<1x128xf32>, vector<1x128xf32>, vector<1x128xf32>, vector<1x128xf32>, vector<1x128xf32>, vector<1x128xf32>, vector<1x128xf32> -> vector<16x128xf32>
    %reduce_max3A = arith.constant dense<0xFF800000> : vector<128xf32>
    %reduce_max3A_219 = vector.multi_reduction <maximumf>, %concatenate3A, %reduce_max3A [0] : vector<16x128xf32> to vector<128xf32>
    %broadcast_in_dim3A_220 = vector.shape_cast %reduce_max3A_219 : vector<128xf32> to vector<1x128xf32>
    %sub3A_221 = vector.broadcast %broadcast_in_dim3A_220 : vector<1x128xf32> to vector<16x128xf32>
    %sub3A_222 = arith.subf %concatenate3A, %sub3A_221 : vector<16x128xf32>
    %exp3A = math.exp %sub3A_222 : vector<16x128xf32>
    %reduce_sum3A_223 = arith.constant dense<0.000000e+00> : vector<128xf32>
    %reduce_sum3A_224 = vector.multi_reduction <add>, %exp3A, %reduce_sum3A_223 [0] : vector<16x128xf32> to vector<128xf32>
    %broadcast_in_dim3A_225 = vector.shape_cast %reduce_sum3A_224 : vector<128xf32> to vector<1x128xf32>
    %div3A_226 = vector.broadcast %broadcast_in_dim3A_225 : vector<1x128xf32> to vector<16x128xf32>
    %div3A_227 = arith.divf %exp3A, %div3A_226 : vector<16x128xf32>
    %get3A_228 = arith.constant 0 : index
    %get3A_229 = arith.constant 0 : index
    %get3A_230 = vector.load %arg7[%get3A_228, %get3A_229] : memref<768x768xf32, #tpu.memory_space<vmem>>, vector<768x768xf32>
    %dot_general3A_231 = arith.constant dense<0.000000e+00> : vector<2048x768xf32>
    %dot_general3A_232 = tpu.matmul %get3A_1, %get3A_230, %dot_general3A_231 {dimension_numbers = #tpu.dot_dimension_numbers<[1], [0], [0], [1], [0, 0, 1, 1], [], []>, transpose_lhs_hint = false} : vector<2048x768xf32>, vector<768x768xf32>, vector<2048x768xf32> -> vector<2048x768xf32>
    %get3A_233 = arith.constant 0 : index
    %get3A_234 = arith.constant 0 : index
    %get3A_235 = vector.load %arg8[%get3A_233, %get3A_234] : memref<1x768xf32, #tpu.memory_space<vmem>>, vector<1x768xf32>
    %add3A_236 = vector.broadcast %get3A_235 : vector<1x768xf32> to vector<2048x768xf32>
    %add3A_237 = arith.addf %dot_general3A_232, %add3A_236 : vector<2048x768xf32>
    %iota3A_238 = tpu.iota {dimensions = array<i32: 0>} : vector<128x128xi32>
    %iota3A_239 = tpu.iota {dimensions = array<i32: 1>} : vector<128x128xi32>
    %eq3A_240 = arith.cmpi eq, %iota3A_238, %iota3A_239 : vector<128x128xi32>
    %slice3A_241 = vector.extract_strided_slice %div3A_227 {offsets = [0, 0], sizes = [1, 128], strides = [1, 1]} : vector<16x128xf32> to vector<1x128xf32>
    %broadcast_in_dim3A_242 = vector.shape_cast %slice3A_241 : vector<1x128xf32> to vector<1x128xf32>
    %broadcast_in_dim3A_243 = vector.broadcast %broadcast_in_dim3A_242 : vector<1x128xf32> to vector<128x128xf32>
    %jit3A = arith.constant 0.000000e+00 : f32
    %broadcast_in_dim3A_244 = vector.broadcast %jit3A : f32 to vector<128x128xf32>
    %select_n3A = arith.select %eq3A_240, %broadcast_in_dim3A_243, %broadcast_in_dim3A_244 : vector<128x128xi1>, vector<128x128xf32>
    %slice3A_245 = vector.extract_strided_slice %div3A_227 {offsets = [1, 0], sizes = [1, 128], strides = [1, 1]} : vector<16x128xf32> to vector<1x128xf32>
    %broadcast_in_dim3A_246 = vector.shape_cast %slice3A_245 : vector<1x128xf32> to vector<1x128xf32>
    %broadcast_in_dim3A_247 = vector.broadcast %broadcast_in_dim3A_246 : vector<1x128xf32> to vector<128x128xf32>
    %jit3A_248 = arith.constant 0.000000e+00 : f32
    %broadcast_in_dim3A_249 = vector.broadcast %jit3A_248 : f32 to vector<128x128xf32>
    %select_n3A_250 = arith.select %eq3A_240, %broadcast_in_dim3A_247, %broadcast_in_dim3A_249 : vector<128x128xi1>, vector<128x128xf32>
    %slice3A_251 = vector.extract_strided_slice %div3A_227 {offsets = [2, 0], sizes = [1, 128], strides = [1, 1]} : vector<16x128xf32> to vector<1x128xf32>
    %broadcast_in_dim3A_252 = vector.shape_cast %slice3A_251 : vector<1x128xf32> to vector<1x128xf32>
    %broadcast_in_dim3A_253 = vector.broadcast %broadcast_in_dim3A_252 : vector<1x128xf32> to vector<128x128xf32>
    %jit3A_254 = arith.constant 0.000000e+00 : f32
    %broadcast_in_dim3A_255 = vector.broadcast %jit3A_254 : f32 to vector<128x128xf32>
    %select_n3A_256 = arith.select %eq3A_240, %broadcast_in_dim3A_253, %broadcast_in_dim3A_255 : vector<128x128xi1>, vector<128x128xf32>
    %slice3A_257 = vector.extract_strided_slice %div3A_227 {offsets = [3, 0], sizes = [1, 128], strides = [1, 1]} : vector<16x128xf32> to vector<1x128xf32>
    %broadcast_in_dim3A_258 = vector.shape_cast %slice3A_257 : vector<1x128xf32> to vector<1x128xf32>
    %broadcast_in_dim3A_259 = vector.broadcast %broadcast_in_dim3A_258 : vector<1x128xf32> to vector<128x128xf32>
    %jit3A_260 = arith.constant 0.000000e+00 : f32
    %broadcast_in_dim3A_261 = vector.broadcast %jit3A_260 : f32 to vector<128x128xf32>
    %select_n3A_262 = arith.select %eq3A_240, %broadcast_in_dim3A_259, %broadcast_in_dim3A_261 : vector<128x128xi1>, vector<128x128xf32>
    %slice3A_263 = vector.extract_strided_slice %div3A_227 {offsets = [4, 0], sizes = [1, 128], strides = [1, 1]} : vector<16x128xf32> to vector<1x128xf32>
    %broadcast_in_dim3A_264 = vector.shape_cast %slice3A_263 : vector<1x128xf32> to vector<1x128xf32>
    %broadcast_in_dim3A_265 = vector.broadcast %broadcast_in_dim3A_264 : vector<1x128xf32> to vector<128x128xf32>
    %jit3A_266 = arith.constant 0.000000e+00 : f32
    %broadcast_in_dim3A_267 = vector.broadcast %jit3A_266 : f32 to vector<128x128xf32>
    %select_n3A_268 = arith.select %eq3A_240, %broadcast_in_dim3A_265, %broadcast_in_dim3A_267 : vector<128x128xi1>, vector<128x128xf32>
    %slice3A_269 = vector.extract_strided_slice %div3A_227 {offsets = [5, 0], sizes = [1, 128], strides = [1, 1]} : vector<16x128xf32> to vector<1x128xf32>
    %broadcast_in_dim3A_270 = vector.shape_cast %slice3A_269 : vector<1x128xf32> to vector<1x128xf32>
    %broadcast_in_dim3A_271 = vector.broadcast %broadcast_in_dim3A_270 : vector<1x128xf32> to vector<128x128xf32>
    %jit3A_272 = arith.constant 0.000000e+00 : f32
    %broadcast_in_dim3A_273 = vector.broadcast %jit3A_272 : f32 to vector<128x128xf32>
    %select_n3A_274 = arith.select %eq3A_240, %broadcast_in_dim3A_271, %broadcast_in_dim3A_273 : vector<128x128xi1>, vector<128x128xf32>
    %slice3A_275 = vector.extract_strided_slice %div3A_227 {offsets = [6, 0], sizes = [1, 128], strides = [1, 1]} : vector<16x128xf32> to vector<1x128xf32>
    %broadcast_in_dim3A_276 = vector.shape_cast %slice3A_275 : vector<1x128xf32> to vector<1x128xf32>
    %broadcast_in_dim3A_277 = vector.broadcast %broadcast_in_dim3A_276 : vector<1x128xf32> to vector<128x128xf32>
    %jit3A_278 = arith.constant 0.000000e+00 : f32
    %broadcast_in_dim3A_279 = vector.broadcast %jit3A_278 : f32 to vector<128x128xf32>
    %select_n3A_280 = arith.select %eq3A_240, %broadcast_in_dim3A_277, %broadcast_in_dim3A_279 : vector<128x128xi1>, vector<128x128xf32>
    %slice3A_281 = vector.extract_strided_slice %div3A_227 {offsets = [7, 0], sizes = [1, 128], strides = [1, 1]} : vector<16x128xf32> to vector<1x128xf32>
    %broadcast_in_dim3A_282 = vector.shape_cast %slice3A_281 : vector<1x128xf32> to vector<1x128xf32>
    %broadcast_in_dim3A_283 = vector.broadcast %broadcast_in_dim3A_282 : vector<1x128xf32> to vector<128x128xf32>
    %jit3A_284 = arith.constant 0.000000e+00 : f32
    %broadcast_in_dim3A_285 = vector.broadcast %jit3A_284 : f32 to vector<128x128xf32>
    %select_n3A_286 = arith.select %eq3A_240, %broadcast_in_dim3A_283, %broadcast_in_dim3A_285 : vector<128x128xi1>, vector<128x128xf32>
    %slice3A_287 = vector.extract_strided_slice %div3A_227 {offsets = [8, 0], sizes = [1, 128], strides = [1, 1]} : vector<16x128xf32> to vector<1x128xf32>
    %broadcast_in_dim3A_288 = vector.shape_cast %slice3A_287 : vector<1x128xf32> to vector<1x128xf32>
    %broadcast_in_dim3A_289 = vector.broadcast %broadcast_in_dim3A_288 : vector<1x128xf32> to vector<128x128xf32>
    %jit3A_290 = arith.constant 0.000000e+00 : f32
    %broadcast_in_dim3A_291 = vector.broadcast %jit3A_290 : f32 to vector<128x128xf32>
    %select_n3A_292 = arith.select %eq3A_240, %broadcast_in_dim3A_289, %broadcast_in_dim3A_291 : vector<128x128xi1>, vector<128x128xf32>
    %slice3A_293 = vector.extract_strided_slice %div3A_227 {offsets = [9, 0], sizes = [1, 128], strides = [1, 1]} : vector<16x128xf32> to vector<1x128xf32>
    %broadcast_in_dim3A_294 = vector.shape_cast %slice3A_293 : vector<1x128xf32> to vector<1x128xf32>
    %broadcast_in_dim3A_295 = vector.broadcast %broadcast_in_dim3A_294 : vector<1x128xf32> to vector<128x128xf32>
    %jit3A_296 = arith.constant 0.000000e+00 : f32
    %broadcast_in_dim3A_297 = vector.broadcast %jit3A_296 : f32 to vector<128x128xf32>
    %select_n3A_298 = arith.select %eq3A_240, %broadcast_in_dim3A_295, %broadcast_in_dim3A_297 : vector<128x128xi1>, vector<128x128xf32>
    %slice3A_299 = vector.extract_strided_slice %div3A_227 {offsets = [10, 0], sizes = [1, 128], strides = [1, 1]} : vector<16x128xf32> to vector<1x128xf32>
    %broadcast_in_dim3A_300 = vector.shape_cast %slice3A_299 : vector<1x128xf32> to vector<1x128xf32>
    %broadcast_in_dim3A_301 = vector.broadcast %broadcast_in_dim3A_300 : vector<1x128xf32> to vector<128x128xf32>
    %jit3A_302 = arith.constant 0.000000e+00 : f32
    %broadcast_in_dim3A_303 = vector.broadcast %jit3A_302 : f32 to vector<128x128xf32>
    %select_n3A_304 = arith.select %eq3A_240, %broadcast_in_dim3A_301, %broadcast_in_dim3A_303 : vector<128x128xi1>, vector<128x128xf32>
    %slice3A_305 = vector.extract_strided_slice %div3A_227 {offsets = [11, 0], sizes = [1, 128], strides = [1, 1]} : vector<16x128xf32> to vector<1x128xf32>
    %broadcast_in_dim3A_306 = vector.shape_cast %slice3A_305 : vector<1x128xf32> to vector<1x128xf32>
    %broadcast_in_dim3A_307 = vector.broadcast %broadcast_in_dim3A_306 : vector<1x128xf32> to vector<128x128xf32>
    %jit3A_308 = arith.constant 0.000000e+00 : f32
    %broadcast_in_dim3A_309 = vector.broadcast %jit3A_308 : f32 to vector<128x128xf32>
    %select_n3A_310 = arith.select %eq3A_240, %broadcast_in_dim3A_307, %broadcast_in_dim3A_309 : vector<128x128xi1>, vector<128x128xf32>
    %slice3A_311 = vector.extract_strided_slice %div3A_227 {offsets = [12, 0], sizes = [1, 128], strides = [1, 1]} : vector<16x128xf32> to vector<1x128xf32>
    %broadcast_in_dim3A_312 = vector.shape_cast %slice3A_311 : vector<1x128xf32> to vector<1x128xf32>
    %broadcast_in_dim3A_313 = vector.broadcast %broadcast_in_dim3A_312 : vector<1x128xf32> to vector<128x128xf32>
    %jit3A_314 = arith.constant 0.000000e+00 : f32
    %broadcast_in_dim3A_315 = vector.broadcast %jit3A_314 : f32 to vector<128x128xf32>
    %select_n3A_316 = arith.select %eq3A_240, %broadcast_in_dim3A_313, %broadcast_in_dim3A_315 : vector<128x128xi1>, vector<128x128xf32>
    %slice3A_317 = vector.extract_strided_slice %div3A_227 {offsets = [13, 0], sizes = [1, 128], strides = [1, 1]} : vector<16x128xf32> to vector<1x128xf32>
    %broadcast_in_dim3A_318 = vector.shape_cast %slice3A_317 : vector<1x128xf32> to vector<1x128xf32>
    %broadcast_in_dim3A_319 = vector.broadcast %broadcast_in_dim3A_318 : vector<1x128xf32> to vector<128x128xf32>
    %jit3A_320 = arith.constant 0.000000e+00 : f32
    %broadcast_in_dim3A_321 = vector.broadcast %jit3A_320 : f32 to vector<128x128xf32>
    %select_n3A_322 = arith.select %eq3A_240, %broadcast_in_dim3A_319, %broadcast_in_dim3A_321 : vector<128x128xi1>, vector<128x128xf32>
    %slice3A_323 = vector.extract_strided_slice %div3A_227 {offsets = [14, 0], sizes = [1, 128], strides = [1, 1]} : vector<16x128xf32> to vector<1x128xf32>
    %broadcast_in_dim3A_324 = vector.shape_cast %slice3A_323 : vector<1x128xf32> to vector<1x128xf32>
    %broadcast_in_dim3A_325 = vector.broadcast %broadcast_in_dim3A_324 : vector<1x128xf32> to vector<128x128xf32>
    %jit3A_326 = arith.constant 0.000000e+00 : f32
    %broadcast_in_dim3A_327 = vector.broadcast %jit3A_326 : f32 to vector<128x128xf32>
    %select_n3A_328 = arith.select %eq3A_240, %broadcast_in_dim3A_325, %broadcast_in_dim3A_327 : vector<128x128xi1>, vector<128x128xf32>
    %slice3A_329 = vector.extract_strided_slice %div3A_227 {offsets = [15, 0], sizes = [1, 128], strides = [1, 1]} : vector<16x128xf32> to vector<1x128xf32>
    %broadcast_in_dim3A_330 = vector.shape_cast %slice3A_329 : vector<1x128xf32> to vector<1x128xf32>
    %broadcast_in_dim3A_331 = vector.broadcast %broadcast_in_dim3A_330 : vector<1x128xf32> to vector<128x128xf32>
    %jit3A_332 = arith.constant 0.000000e+00 : f32
    %broadcast_in_dim3A_333 = vector.broadcast %jit3A_332 : f32 to vector<128x128xf32>
    %select_n3A_334 = arith.select %eq3A_240, %broadcast_in_dim3A_331, %broadcast_in_dim3A_333 : vector<128x128xi1>, vector<128x128xf32>
    %concatenate3A_335 = tpu.concatenate %select_n3A, %select_n3A_250, %select_n3A_256, %select_n3A_262, %select_n3A_268, %select_n3A_274, %select_n3A_280, %select_n3A_286, %select_n3A_292, %select_n3A_298, %select_n3A_304, %select_n3A_310, %select_n3A_316, %select_n3A_322, %select_n3A_328, %select_n3A_334 in 1 : vector<128x128xf32>, vector<128x128xf32>, vector<128x128xf32>, vector<128x128xf32>, vector<128x128xf32>, vector<128x128xf32>, vector<128x128xf32>, vector<128x128xf32>, vector<128x128xf32>, vector<128x128xf32>, vector<128x128xf32>, vector<128x128xf32>, vector<128x128xf32>, vector<128x128xf32>, vector<128x128xf32>, vector<128x128xf32> -> vector<128x2048xf32>
    %dot_general3A_336 = arith.constant dense<0.000000e+00> : vector<128x768xf32>
    %dot_general3A_337 = tpu.matmul %concatenate3A_335, %add3A_237, %dot_general3A_336 {dimension_numbers = #tpu.dot_dimension_numbers<[1], [0], [0], [1], [0, 0, 1, 1], [], []>, transpose_lhs_hint = false} : vector<128x2048xf32>, vector<2048x768xf32>, vector<128x768xf32> -> vector<128x768xf32>
    %get3A_338 = arith.constant 0 : index
    %get3A_339 = arith.constant 0 : index
    %get3A_340 = vector.load %arg11[%get3A_338, %get3A_339] : memref<768x768xf32, #tpu.memory_space<vmem>>, vector<768x768xf32>
    %dot_general3A_341 = arith.constant dense<0.000000e+00> : vector<128x768xf32>
    %dot_general3A_342 = tpu.matmul %dot_general3A_337, %get3A_340, %dot_general3A_341 {dimension_numbers = #tpu.dot_dimension_numbers<[1], [0], [0], [1], [0, 0, 1, 1], [], []>, transpose_lhs_hint = false} : vector<128x768xf32>, vector<768x768xf32>, vector<128x768xf32> -> vector<128x768xf32>
    %get3A_343 = arith.constant 0 : index
    %get3A_344 = arith.constant 0 : index
    %get3A_345 = vector.load %arg12[%get3A_343, %get3A_344] : memref<1x768xf32, #tpu.memory_space<vmem>>, vector<1x768xf32>
    %add3A_346 = vector.broadcast %get3A_345 : vector<1x768xf32> to vector<128x768xf32>
    %add3A_347 = arith.addf %dot_general3A_342, %add3A_346 : vector<128x768xf32>
    %max3A = arith.constant 0.000000e+00 : f32
    %max3A_348 = vector.broadcast %max3A : f32 to vector<128x768xf32>
    %max3A_349 = arith.maximumf %add3A_347, %max3A_348 : vector<128x768xf32>
    %get3A_350 = arith.constant 0 : index
    %get3A_351 = arith.constant 0 : index
    %get3A_352 = vector.load %arg13[%get3A_350, %get3A_351] : memref<768x768xf32, #tpu.memory_space<vmem>>, vector<768x768xf32>
    %dot_general3A_353 = arith.constant dense<0.000000e+00> : vector<128x768xf32>
    %dot_general3A_354 = tpu.matmul %max3A_349, %get3A_352, %dot_general3A_353 {dimension_numbers = #tpu.dot_dimension_numbers<[1], [0], [0], [1], [0, 0, 1, 1], [], []>, transpose_lhs_hint = false} : vector<128x768xf32>, vector<768x768xf32>, vector<128x768xf32> -> vector<128x768xf32>
    %get3A_355 = arith.constant 0 : index
    %get3A_356 = arith.constant 0 : index
    %get3A_357 = vector.load %arg14[%get3A_355, %get3A_356] : memref<1x768xf32, #tpu.memory_space<vmem>>, vector<1x768xf32>
    %add3A_358 = vector.broadcast %get3A_357 : vector<1x768xf32> to vector<128x768xf32>
    %add3A_359 = arith.addf %dot_general3A_354, %add3A_358 : vector<128x768xf32>
    %swap3A = arith.constant 0 : index
    %swap3A_360 = arith.constant 0 : index
    %swap3A_361 = vector.load %arg15[%swap3A, %swap3A_360] : memref<128x768xf32, #tpu.memory_space<vmem>>, vector<128x768xf32>
    tpu.vector_store %arg15[%swap3A, %swap3A_360], %add3A_359 {strides = array<i32>} : memref<128x768xf32, #tpu.memory_space<vmem>>, vector<128x768xf32>,
    return
  }
}

</mosaic_0001>

<sc_bundles>
// kernel: kernel.6.cloned.1.call-start
scs
__scs_entry_jumppad:
0x0: {  	(pc) =	sbr.rel $0x88, $3  }
0x1: {  	(tag) =	ssettag $0x0;
	lr =	simm.s32 $0x1  }
0x2: {  	[smem:$0x3F8C] =	sst lr;
	_ =	strace $0xD0000000  }
0x3: {  	_ = 	snop  }
0x4: {  	_ = 	snop  }
0x5: {  	_ = 	snop  }
0x6: {  	_ = 	snop  }
0x7: {  	_ = 	snop  }
__scs_overlays_trampoline_lowered:
0x8: {  	[smem:$0x3F9B] =	sst s0  }
0x9: {  	[smem:$0x3F9C] =	sst s1  }
0xa: {  	[smem:$0x3F9D] =	sst s2  }
0xb: {  	[smem:$0x3F9E] =	sst s3  }
0xc: {  	[smem:$0x3F9F] =	sst s4  }
0xd: {  	[smem:$0x3FA0] =	sst s5  }
0xe: {  	[smem:$0x3FA1] =	sst s6  }
0xf: {  	[smem:$0x3FA2] =	sst s7  }
0x10: {  	[smem:$0x3FA3] =	sst s8  }
0x11: {  	[smem:$0x3FA4] =	sst s9;
	s0 =	simm.s32 @!p0 $0x0  }
0x12: {  	s1 =	sld [smem:$0x3F8A];
	s0 =	simm.s32 @p0 $0x1  }
0x13: {  	[smem:$0x3FA5] =	sst s0;
	s0 =	simm.s32 @!p1 $0x0  }
0x14: {  	s2 =	sld [smem:$0x3F89];
	s0 =	simm.s32 @p1 $0x1  }
0x15: {  	[smem:$0x3FA6] =	sst s0;
	s0 =	simm.s32 @!p2 $0x0  }
0x16: {  	s3 =	sld [smem:$0x3FDB];
	s0 =	simm.s32 @p2 $0x1  }
0x17: {  	s4 =	simm.s32 $0x1BF5;
	[smem:$0x3FA8] =	sst s0  }
0x18: {  	s0 =	sld [smem:$0x3F8B];
	_ =	swait.ge [sflag:s4], $0x0  }
0x19: {  	s7 =	sld [smem:$0x3F8C]  }
0x1a: {  	s8 =	sadd.s32 $0xFFFFE003, lr  }
0x1b: {  	s9 =	sadd.s32 $0xFFFFFEF7, lr;
	s5 =	simm.s32 $0xFFFFFFFF;
	p2 =	slt.u32 s8, $0xFFFFF086  }
0x1c: {  	p1 =	slt.u32 s9, $0xF7A;
	s5 =	simm.s32 @!p2 $0x0  }
0x1d: {  	s5 =	simm.s32 @p1 $0x1;
	p0 =	seq.s32 s7, s2  }
0x1e: {  	s7 =	smul.u32 @!p0 $0xF7A, s2;
	p2 =	seq.s32 @!p0 s5, $0x0  }
0x1f: {  	s9 =	smul.u32 $0xF7A, s1;
	s8 =	simm.s32 @!p0 $0x1BF5;
	p2 =	por !p2, p0  }
0x20: {  	[sflag:s8] =	ssyncset.s32 @!p0 $0xFFFFF086;
	s6 =	sadd.s32 @!p0 s3, s7;
	s7 =	simm.s32 @!p0 $0x108  }
0x21: {  	s3 =	sadd.s32 s3, s9;
	s6 =	sadd.s32 @!p0 $0x88, s6;
	s7 =	simm.s32 @p2 $0x1082  }
0x22: {  	[simem:s7], [sflag:s8] =	dma.local @!p0 [hbm:s6], $0xF7A  }
0x23: {  	s9 =	sor.u32 $0xD0000000, s2;
	s6 =	simm.s32 $0x108;
	_ =	swait.ge @!p0 [sflag:s8], $0x0  }
0x24: {  	s3 =	sadd.s32 $0x88, s3;
	s6 =	simm.s32 @!p1 $0x1082;
	[sflag:s4] =	ssyncset.s32 $0xFFFFF086  }
0x25: {  	[simem:s6], [sflag:s4] =	dma.local [hbm:s3], $0xF7A  }
0x26: {  	[smem:$0x3F8C] =	sst s1;
	(tag) =	ssettag s2;
	_ =	strace s9  }
0x27: {  	s1 =	sld [smem:$0x3F9C]  }
0x28: {  	s2 =	sld [smem:$0x3F9D]  }
0x29: {  	s4 =	sld [smem:$0x3F9F]  }
0x2a: {  	p0 =	seq.s32 s5, $0x0;
	s5 =	sld [smem:$0x3FA0]  }
0x2b: {  	s6 =	sld [smem:$0x3FA1]  }
0x2c: {  	s7 =	sld [smem:$0x3FA2]  }
0x2d: {  	s3 =	simm.s32 $0x108;
	s8 =	sld [smem:$0x3FA3]  }
0x2e: {  	s3 =	simm.s32 @!p0 $0x1082;
	s9 =	sld [smem:$0x3FA4]  }
0x2f: {  	lr =	sadd.s32 s0, s3;
	s0 =	sld [smem:$0x3F9B]  }
0x30: {  	s3 =	sld [smem:$0x3F9E]  }
0x31: {  	[smem:$0x3FA7] =	sst s10  }
0x32: {  	s10 =	sld [smem:$0x3FA5];
	_ =	sdelay $0x3  }
0x33: {  	p0 =	seq.s32 s10, $0x1;
	s10 =	sld [smem:$0x3FA7];
	_ =	sdelay $0x3  }
0x34: {  	[smem:$0x3FA7] =	sst s10  }
0x35: {  	s10 =	sld [smem:$0x3FA6];
	_ =	sdelay $0x3  }
0x36: {  	p1 =	seq.s32 s10, $0x1;
	s10 =	sld [smem:$0x3FA7];
	_ =	sdelay $0x3  }
0x37: {  	[smem:$0x3FA7] =	sst s10  }
0x38: {  	s10 =	sld [smem:$0x3FA8]  }
0x39: {  	_ = 	snop;
	(pc) =	sbr.ind lr, $3  }
0x3a: {  	_ = 	snop  }
0x3b: {  	_ = 	snop  }
0x3c: {  	p2 =	seq.s32 s10, $0x1;
	s10 =	sld [smem:$0x3FA7]  }
0x3d: {  	_ =	shalt  }
0x3e: {  	_ =	shalt  }
0x3f: {  	_ =	shalt  }
0x40: {  	_ =	shalt  }
0x41: {  	_ =	shalt  }
0x42: {  	_ =	shalt  }
0x43: {  	_ =	shalt  }
0x44: {  	_ =	shalt  }
0x45: {  	_ =	shalt  }
0x46: {  	_ =	shalt  }
0x47: {  	_ =	shalt  }
0x48: {  	_ =	shalt  }
0x49: {  	_ =	shalt  }
0x4a: {  	_ =	shalt  }
0x4b: {  	_ =	shalt  }
0x4c: {  	_ =	shalt  }
0x4d: {  	_ =	shalt  }
0x4e: {  	_ =	shalt  }
0x4f: {  	_ =	shalt  }
0x50: {  	_ =	shalt  }
0x51: {  	_ =	shalt  }
0x52: {  	_ =	shalt  }
0x53: {  	_ =	shalt  }
0x54: {  	_ =	shalt  }
0x55: {  	_ =	shalt  }
0x56: {  	_ =	shalt  }
0x57: {  	_ =	shalt  }
0x58: {  	_ =	shalt  }
0x59: {  	_ =	shalt  }
0x5a: {  	_ =	shalt  }
0x5b: {  	_ =	shalt  }
0x5c: {  	_ =	shalt  }
0x5d: {  	_ =	shalt  }
0x5e: {  	_ =	shalt  }
0x5f: {  	_ =	shalt  }
0x60: {  	_ =	shalt  }
0x61: {  	_ =	shalt  }
0x62: {  	_ =	shalt  }
0x63: {  	_ =	shalt  }
0x64: {  	_ =	shalt  }
0x65: {  	_ =	shalt  }
0x66: {  	_ =	shalt  }
0x67: {  	_ =	shalt  }
0x68: {  	_ =	shalt  }
0x69: {  	_ =	shalt  }
0x6a: {  	_ =	shalt  }
0x6b: {  	_ =	shalt  }
0x6c: {  	_ =	shalt  }
0x6d: {  	_ =	shalt  }
0x6e: {  	_ =	shalt  }
0x6f: {  	_ =	shalt  }
0x70: {  	_ =	shalt  }
0x71: {  	_ =	shalt  }
0x72: {  	_ =	shalt  }
0x73: {  	_ =	shalt  }
0x74: {  	_ =	shalt  }
0x75: {  	_ =	shalt  }
0x76: {  	_ =	shalt  }
0x77: {  	_ =	shalt  }
0x78: {  	_ =	shalt  }
0x79: {  	_ =	shalt  }
0x7a: {  	_ =	shalt  }
0x7b: {  	_ =	shalt  }
0x7c: {  	_ =	shalt  }
0x7d: {  	_ =	shalt  }
0x7e: {  	_ =	shalt  }
0x7f: {  	_ =	shalt  }
0x80: {  	_ =	shalt  }
0x81: {  	_ =	shalt  }
0x82: {  	_ =	shalt  }
0x83: {  	_ =	shalt  }
0x84: {  	_ =	shalt  }
0x85: {  	_ =	shalt  }
0x86: {  	_ =	shalt  }
0x87: {  	_ =	shalt  }
.Lfunc_end0:
.L_simem_size_0:
called_computation_lowered:
.L_overlay_start_0:
0x88: {  	s2 =	sld [smem:$0x3FD9]  }
0x89: {  	s3 =	sld [smem:$0x3FFE];
	_ =	sdelay $0x1  }
0x8a: {  	s1 =	srdreg.scid  }
0x8b: {  	s0 =	sand.u32 $0x1, s1  }
0x8c: {  	s14 =	sshll.u32 s0, $0xA;
	s2 =	sadd.s32 s3, s2  }
0x8d: {  	s2 =	sadd.s32 s2, s14  }
0x8e: {  	[smem:$0x3FB3] =	sst s2  }
0x8f: {  	_ = 	snop  }
0x90: {  	s2 =	sld [smem:$0x3FD0];
	_ =	sdelay $0x2  }
0x91: {  	s4 =	simm.s32 $0xA;
	s5 =	simm.s32 $0x10;
	s15 =	sld [smem:$0x3FC8]  }
0x92: {  	[smem:s5], [sflag:s4] =	dma.local [hbm:s2], $0x1  }
0x93: {  	_ =	swait.eq [sflag:s4], $0x1  }
0x94: {  	[sflag:s4] =	ssyncset.done $0x0  }
0x95: {  	[sflag:s4] =	ssyncadd.s32 $0xFFFFFFFF  }
0x96: {  	s16 =	sld [smem:$0x10];
	(tm) =	ssettm $0x1  }
0x97: {  	s17 =	sld [smem:$0x3FFB];
	_ =	sdelay $0x3  }
0x98: {  	_ =	strace s17  }
0x99: {  	s4 =	sld [smem:$0x3FFC];
	_ =	sdelay $0x3  }
0x9a: {  	_ =	strace s4  }
0x9b: {  	s4 =	sld [smem:$0x3FFD];
	_ =	sdelay $0x3  }
0x9c: {  	_ =	strace s4  }
0x9d: {  	_ =	strace $0x8FFFFFFF  }
0x9e: {  	s18 =	sld [smem:$0x3FDB];
	_ =	sdelay $0x1  }
0x9f: {  	s19 =	simm.s32 $_scs_section_size  }
0xa0: {  	s6 =	simm.s32 $_size__tile_overlayer_lowered;
	s7 =	simm.s32 $_tile_overlayer_lowered  }
0xa1: {  	s22 =	simm.s32 $0x1BFF;
	s21 =	sshll.u32 s7, $0x1;
	s4 =	sadd.s32 s19, s18  }
0xa2: {  	s8 =	simm.s32 $0x0;
	s20 =	sshll.u32 s6, $0x1;
	s6 =	sadd.s32 s21, s4  }
0xa3: {  	[timem:s8], [sflag:s22] =	dma.local [hbm:s6], s20  }
0xa4: {  	_ =	swait.ge [sflag:s22], s20  }
0xa5: {  	s5 =	ssub.s32 $0x0, s20;
	[sflag:s22] =	ssyncset.done $0x0  }
0xa6: {  	[sflag:s22] =	ssyncadd.s32 s5;
	_ =	sdelay $0x1  }
0xa7: {  	s23 =	simm.s32 $0x1B8B  }
0xa8: {  	_ =	swait.ge [sflag:s23], $0x1  }
0xa9: {  	[sflag:s23] =	ssyncset.done $0x0  }
0xaa: {  	s25 =	simm.s32 $0x1B8E;
	s24 =	sld [smem:$0x3FFE];
	[sflag:s23] =	ssyncadd.s32 $0xFFFFFFFF  }
0xab: {  	s26 =	simm.s32 $execute0_lowered;
	[smem:$0x3FD2] =	sst s25  }
0xac: {  	s6 =	sshll.u32 s26, $0x1;
	_ =	strace $0x80000046;
	[dreg:$0x1] =	wrdreg $0xFFFFFFFF  }
0xad: {  	s28 =	simm.s32 $_size_execute0_lowered;
	s4 =	sadd.s32 s4, s6;
	[dreg:$0x0] =	wrdreg $0x0  }
0xae: {  	s6 =	sshll.u32 s28, $0x1;
	[dreg:$0x2] =	wrdreg s4  }
0xaf: {  	[dreg:$0x3] =	wrdreg s6  }
0xb0: {  	[dreg:$0x4] =	wrdreg $0xC0  }
0xb1: {  	_ =	task [dreg:s8], $0x5FFFF  }
0xb2: {  	[dreg:$0x1] =	wrdreg $0xFFFFFFFF  }
0xb3: {  	[dreg:$0x0] =	wrdreg $0x60  }
0xb4: {  	[dreg:$0x2] =	wrdreg s15  }
0xb5: {  	[dreg:$0x3] =	wrdreg s24  }
0xb6: {  	[dreg:$0x4] =	wrdreg s16  }
0xb7: {  	[dreg:$0x5] =	wrdreg $0x9  }
0xb8: {  	_ =	task.clear_ibuf [dreg:s8], $0x6FFFF;
	_ =	strace $0x90000046  }
0xb9: {  	s29 =	simm.s32 $0x9;
	_ =	strace $0x80000048  }
0xba: {  	_ =	swait.ge [sflag:s29], $0x1  }
0xbb: {  	[sflag:s29] =	ssyncadd.s32 $0xFFFFFFFF  }
0xbc: {  	_ =	strace $0x90000048  }
0xbd: {  	_ =	sfence  }
0xbe: {  	s30 =	sld [smem:$0x0];
	_ =	sdelay $0x2  }
0xbf: {  	s31 =	sshll.u32 s1, $0xD;
	s1 =	sshrl.u32 s1, $0x2  }
0xc0: {  	s3 =	sand.u32 $0x4000, s31;
	s1 =	sadd.s32 s1, s30  }
0xc1: {  	s0 =	sor.u32 s3, s0;
	s1 =	sshll.u32 s1, $0x11  }
0xc2: {  	s0 =	sor.u32 s1, s0  }
0xc3: {  	s0 =	sadd.s32 $0x8F2B, s0  }
0xc4: {  	[sflag:s0] =	ssyncadd.remote.s32 $0x1  }
0xc5: {  	_ =	sfence.sel $0xFFFF  }
0xc6: {  	[dreg:$0x0] =	wrdreg $0xFFFFFFFF;
	(pc) =	sbr.abs _section_cstart, $3  }
0xc7: {  	[dreg:$0x1] =	wrdreg $0xFFFFFFFF  }
0xc8: {  	_ =	task.clear_ibuf [dreg:s8], $0x2FFFF;
	_ =	strace $0x9FFFFFFF  }
0xc9: {  	(tm) =	ssettm $0x7FFFFFFF  }
tec
execute0_lowered:
.L_overlay_start_1:
0x0: {  	(tag) =	ssettag $0x1  }
0x1: {  	s1 =	rddreg [dreg:$0x0]  }
0x2: {  	s2 =	srdreg.scid;
	s4 =	rddreg [dreg:$0x1]  }
0x3: {  	s0 =	stileid.u32;
	s9 =	rddreg [dreg:$0x2];
	s6 =	sand.u32 $0x1, s2  }
0x4: {  	s3 =	simm.s32 $0x0;
	s5 =	sshll.u32 s0, $0x5;
	s7 =	sshll.u32 s6, $0x4  }
0x5: {  	[smem:$0x7FF] =	sst s3;
	s10 =	sor.u32 s7, s5  }
0x6: {  	s2 =	rddreg [dreg:$0x3];
	_ =	strace $0x80000047;
	s5 =	sshrl.u32 s10, $0x3  }
0x7: {  	s11 =	ssub.s32 $0x2, s6;
	s5 =	sadd.s32 s4, s5;
	s4 =	simm.s32 $0x2  }
0x8: {  	[tilespmem:s3], [sflag:$0x2] =	stream.linear.gather [hbm4b:s5+s3], $0x10, $0x38;
	[tilespmem:$0x880] =	vst v63  }
0x9: {  	s8 =	simm.s32 $0x1;
	s12 =	sshrl.u32 s11, $0x1;
	_ =	swait.ge [sflag:s4], $0x10  }
0xa: {  	s6 =	simm.s32 $0x10;
	s11 =	ssub.s32 s11, s12;
	[sflag:s4] =	ssyncset.done $0x0  }
0xb: {  	s7 =	simm.s32 $0x80;
	s31 =	smax.u32 s11, $0x1;
	[sflag:s4] =	ssyncadd.s32 $0xFFFFFFF0  }
0xc: {  	[tilespmem:s7], [sflag:$0x1] =	stream.indirect.gather [hbm4b:s1+s6], $0x80, s3, s6, $0xb8;
	[tilespmem:$0x880] =	vst v63  }
0xd: {  	p0 =	sne.s32 s31, $0x1;
	_ =	swait.ge [sflag:s8], $0x800  }
.Ltmp0:
0xe: {  	s10 =	sshll.u32 s10, $0x4;
	[sflag:s8] =	ssyncset.done $0x0;
	(pc) =	sbr.rel @!p0 .LBB2_2-.Ltmp0, $4  }
0xf: {  	s9 =	sadd.s32 s9, s10;
	[sflag:s8] =	ssyncadd.s32 $0xFFFFF800  }
0x10: {  	[hbm4b:s9+s3] =	stream.linear.scatter [tilespmem:s7], [sflag:$0x2], $0x800, $0x38;
	[tilespmem:$0x880] =	vst v63  }
0x11: {  	_ =	swait.ge [sflag:s4], $0x800  }
0x12: {  	s10 =	sadd.s32 $0xFFFFFFFF, s31;
	[sflag:s4] =	ssyncset.done $0x0  }
.LBB2_1:
0x13: {  	p0 =	sne.s32 s10, $0x1;
	s10 =	sadd.s32 $0xFFFFFFFF, s10;
	[sflag:s4] =	ssyncadd.s32 $0xFFFFF800  }
0x14: {  	[tilespmem:s3], [sflag:$0x2] =	stream.linear.gather [hbm4b:s5+s3], $0x10, $0x38;
	[tilespmem:$0x880] =	vst v63  }
0x15: {  	_ =	swait.ge [sflag:s4], $0x10  }
0x16: {  	[sflag:s4] =	ssyncset.done $0x0  }
0x17: {  	[sflag:s4] =	ssyncadd.s32 $0xFFFFFFF0  }
0x18: {  	[tilespmem:s7], [sflag:$0x1] =	stream.indirect.gather [hbm4b:s1+s6], $0x80, s3, s6, $0xb8;
	[tilespmem:$0x880] =	vst v63  }
0x19: {  	_ =	swait.ge [sflag:s8], $0x800  }
.Ltmp1:
0x1a: {  	[sflag:s8] =	ssyncset.done $0x0;
	(pc) =	sbr.rel @p0 .LBB2_1-.Ltmp1, $4  }
0x1b: {  	[sflag:s8] =	ssyncadd.s32 $0xFFFFF800  }
0x1c: {  	[hbm4b:s9+s3] =	stream.linear.scatter [tilespmem:s7], [sflag:$0x2], $0x800, $0x38;
	[tilespmem:$0x880] =	vst v63  }
0x1d: {  	_ =	swait.ge [sflag:s4], $0x800  }
0x1e: {  	[sflag:s4] =	ssyncset.done $0x0  }
.LBB2_2:
0x1f: {  	[sflag:s4] =	ssyncadd.s32 $0xFFFFF800  }
0x20: {  	_ =	sfence.sel $0x180000  }
0x21: {  	[bflag:$0x0] =	sbarrier.arrive $0xFFFF  }
0x22: {  	p0 =	sne.s32 s0, $0x0;
	_ =	strace $0x90000047  }
0x23: {  	s0 =	sadd.s32 @!p0 $0x100000, s2;
	[bflag:$0x2] =	sbarrier.arrive $0xFFFF  }
0x24: {  	[sflag:s0] =	ssyncadd.tile.s32 @!p0 $0x1;
	_ =	shalt  }
.Lfunc_end2:
_tile_overlayer_lowered:
.L_overlay_start_2:
0x25: {  	(tag) =	ssettag $0x2  }
0x26: {  	s0 =	rddreg [dreg:$0x0];
	s2 =	stileid.u32  }
0x27: {  	s1 =	rddreg [dreg:$0x1];
	p0 =	sne.s32 s2, $0x0  }
0x28: {  	s3 =	rddreg [dreg:$0x2];
	[bflag:$0x3] =	sbarrier.arrive $0xFFFF;
	s2 =	simm.s32 @!p0 $0x1C02  }
0x29: {  	[timem:s3], [sflag:s2] =	dma.local @!p0 [hbm:s0], s1  }
0x2a: {  	s0 =	simm.s32 @!p0 $0x2  }
0x2b: {  	_ =	swait.ge @!p0 [sflag:s0], s1  }
0x2c: {  	s1 =	ssub.s32 @!p0 $0x0, s1;
	[sflag:s0] =	ssyncset.done @!p0 $0x0  }
0x2d: {  	[sflag:s0] =	ssyncadd.s32 @!p0 s1  }
0x2e: {  	[bflag:$0x3] =	sbarrier.arrive $0xFFFF  }
0x2f: {  	_ =	shalt  }

</sc_bundles>
